<compile_context>
chip_gen: v7x
topology: tpu7x:2x2x1
jax: 0.10.2.dev20260603
libtpu: 0.0.44.dev20260713+nightly
codegen_flags: <defaults>
</compile_context>

<pallas_src>
import functools

import jax
import jax.numpy as jnp
from jax import lax
from jax.experimental import pallas as pl
from jax.experimental.pallas import tpu as pltpu
from jax.experimental.pallas import tpu_sc as plsc

_LANES = 128
_FOLD = 16
_NC = 2 * _FOLD
_BIG = 3.0e38


def _nn_body(nblocks, qb, y_ref, gx_ref, gy_ref, sig_ref,
             m_ref, kidx_ref, g_ref):
    yx = y_ref[:, 0:1]
    yy = y_ref[:, 1:2]
    lane = lax.broadcasted_iota(jnp.int32, (1, _LANES), 1).astype(jnp.float32)

    def one_block(b, bv, bb):
        mb = None
        for u in range(_FOLD):
            c = b * _FOLD + u
            off = pl.multiple_of(c * _LANES, _LANES)
            gx = gx_ref[:, pl.ds(off, _LANES)]
            gy = gy_ref[:, pl.ds(off, _LANES)]
            dx = yx - gx
            dy = yy - gy
            d = dx * dx + dy * dy
            mb = d if mb is None else jnp.minimum(mb, d)
        upd = mb < bv
        bf = lax.convert_element_type(b, jnp.float32)
        return jnp.where(upd, mb, bv), jnp.where(upd, bf, bb)

    def block2(s2, carry):
        bv, bb = carry
        bv, bb = one_block(s2 * 2, bv, bb)
        return one_block(s2 * 2 + 1, bv, bb)

    bv0 = jnp.full((qb, _LANES), jnp.inf, jnp.float32)
    bb0 = jnp.zeros((qb, _LANES), jnp.float32)
    bv, bb = lax.fori_loop(0, nblocks // 2, block2, (bv0, bb0))

    m = jnp.min(bv, axis=1, keepdims=True)
    flag = bv == m
    l1 = jnp.min(jnp.where(flag, lane, _BIG), axis=1, keepdims=True)
    l2 = jnp.min(jnp.where(flag & (lane > l1), lane, _BIG), axis=1,
                 keepdims=True)
    b1 = jnp.min(jnp.where(lane == l1, bb, _BIG), axis=1, keepdims=True)
    b2 = jnp.min(jnp.where(lane == l2, bb, _BIG), axis=1, keepdims=True)
    blkf = jnp.float32(_LANES * _FOLD)
    kb1 = b1 * blkf + l1
    has2 = l2 < jnp.float32(_LANES)
    kb2 = jnp.where(has2, b2 * blkf + l2, kb1)
    lane32 = lax.broadcasted_iota(jnp.int32, (1, _NC), 1)
    j32 = jnp.where(lane32 < _FOLD, lane32, lane32 - _FOLD)
    j32f = j32.astype(jnp.float32) * jnp.float32(_LANES)
    kbase32 = jnp.where(lane32 < _FOLD, kb1, kb2)
    kidx_ref[...] = kbase32 + j32f
    m_ref[...] = m
    g_ref[...] = jnp.broadcast_to(jnp.exp(sig_ref[0, 0]), g_ref.shape)


def _nn_scan(y, gxp, gyp, sig):
    q = y.shape[0]
    kpad = gxp.shape[1]
    qb = 2048
    nblocks = kpad // (_LANES * _FOLD)
    body = functools.partial(_nn_body, nblocks, qb)
    return pl.pallas_call(
        body,
        grid=(q // qb,),
        in_specs=[
            pl.BlockSpec((qb, 2), lambda i: (i, 0)),
            pl.BlockSpec((1, kpad), lambda i: (0, 0)),
            pl.BlockSpec((1, kpad), lambda i: (0, 0)),
            pl.BlockSpec((1, 1), lambda i: (0, 0)),
        ],
        out_specs=[
            pl.BlockSpec((qb, 1), lambda i: (i, 0)),
            pl.BlockSpec((qb, _NC), lambda i: (i, 0)),
            pl.BlockSpec((qb, 2), lambda i: (i, 0)),
        ],
        out_shape=[
            jax.ShapeDtypeStruct((q, 1), jnp.float32),
            jax.ShapeDtypeStruct((q, _NC), jnp.float32),
            jax.ShapeDtypeStruct((q, 2), jnp.float32),
        ],
    )(y, gxp, gyp, sig)


_CHUNK = 512


def _sc_gather_cand(kidx_flat, gxp, gyp):
    n = kidx_flat.shape[0]
    info = plsc.get_sparse_core_info()
    nw = info.num_cores * info.num_subcores
    bpw = n // nw
    nch = bpw // _CHUNK
    mesh = plsc.VectorSubcoreMesh(core_axis_name="c", subcore_axis_name="s")

    @functools.partial(
        pl.kernel,
        mesh=mesh,
        out_type=[
            jax.ShapeDtypeStruct((n,), jnp.float32),
            jax.ShapeDtypeStruct((n,), jnp.float32),
        ],
        scratch_types=[
            pltpu.VMEM((bpw,), jnp.int32),
            pltpu.VMEM((bpw,), jnp.float32),
            pltpu.VMEM((bpw,), jnp.float32),
            pltpu.SemaphoreType.DMA,
            pltpu.SemaphoreType.DMA,
        ],
    )
    def body(kidx_hbm, gx_hbm, gy_hbm, ox_hbm, oy_hbm, idx_v, xg, yg, s1, s2):
        wid = lax.axis_index("s") * info.num_cores + lax.axis_index("c")
        base = wid * bpw
        pltpu.sync_copy(kidx_hbm.at[pl.ds(base, bpw)], idx_v)

        def chunk(c, carry):
            off = c * _CHUNK
            ca = pltpu.async_copy(gx_hbm.at[idx_v.at[pl.ds(off, _CHUNK)]],
                                  xg.at[pl.ds(off, _CHUNK)], s1)
            cb = pltpu.async_copy(gy_hbm.at[idx_v.at[pl.ds(off, _CHUNK)]],
                                  yg.at[pl.ds(off, _CHUNK)], s2)
            ca.wait()
            cb.wait()
            return carry

        lax.fori_loop(0, nch, chunk, 0)
        pltpu.sync_copy(xg, ox_hbm.at[pl.ds(base, bpw)])
        pltpu.sync_copy(yg, oy_hbm.at[pl.ds(base, bpw)])

    return body(kidx_flat, gxp, gyp)


def _resolve_body(kreal, y_ref, m_ref, kidxf_ref, gxg_ref, gyg_ref, k_ref):
    yx = y_ref[:, 0:1]
    yy = y_ref[:, 1:2]
    dx = yx - gxg_ref[...]
    dy = yy - gyg_ref[...]
    d = dx * dx + dy * dy
    hit = d == m_ref[...]
    ksel = jnp.min(jnp.where(hit, kidxf_ref[...], _BIG), axis=1,
                   keepdims=True)
    ksel = jnp.minimum(ksel, jnp.float32(kreal - 1))
    k_ref[...] = ksel.astype(jnp.int32)


def _nn_resolve(y, m, kidxf, gxg, gyg, kreal):
    q = y.shape[0]
    qb = 1024
    body = functools.partial(_resolve_body, kreal)
    return pl.pallas_call(
        body,
        grid=(q // qb,),
        in_specs=[
            pl.BlockSpec((qb, 2), lambda i: (i, 0)),
            pl.BlockSpec((qb, 1), lambda i: (i, 0)),
            pl.BlockSpec((qb, _NC), lambda i: (i, 0)),
            pl.BlockSpec((qb, _NC), lambda i: (i, 0)),
            pl.BlockSpec((qb, _NC), lambda i: (i, 0)),
        ],
        out_specs=[pl.BlockSpec((qb, 1), lambda i: (i, 0))],
        out_shape=[jax.ShapeDtypeStruct((q, 1), jnp.int32)],
    )(y, m, kidxf, gxg, gyg)[0]


def _sc_gather_uv(idx, u_grid, v_grid):
    q = idx.shape[0]
    info = plsc.get_sparse_core_info()
    nw = info.num_cores * info.num_subcores
    bpw = q // nw
    mesh = plsc.VectorSubcoreMesh(core_axis_name="c", subcore_axis_name="s")

    @functools.partial(
        pl.kernel,
        mesh=mesh,
        out_type=[
            jax.ShapeDtypeStruct((q,), jnp.float32),
            jax.ShapeDtypeStruct((q,), jnp.float32),
        ],
        scratch_types=[
            pltpu.VMEM((bpw,), jnp.int32),
            pltpu.VMEM((bpw,), jnp.float32),
            pltpu.VMEM((bpw,), jnp.float32),
            pltpu.SemaphoreType.DMA,
            pltpu.SemaphoreType.DMA,
        ],
    )
    def body(idx_hbm, u_hbm, v_hbm, uo_hbm, vo_hbm, idx_v, u_v, v_v, s1, s2):
        wid = lax.axis_index("s") * info.num_cores + lax.axis_index("c")
        base = wid * bpw
        pltpu.sync_copy(idx_hbm.at[pl.ds(base, bpw)], idx_v)
        cu = pltpu.async_copy(u_hbm.at[idx_v], u_v, s1)
        cv = pltpu.async_copy(v_hbm.at[idx_v], v_v, s2)
        cu.wait()
        cv.wait()
        pltpu.sync_copy(u_v, uo_hbm.at[pl.ds(base, bpw)])
        pltpu.sync_copy(v_v, vo_hbm.at[pl.ds(base, bpw)])

    return body(idx, u_grid, v_grid)


def kernel(y, grid_points, u_grid, v_grid, sigma):
    k = grid_points.shape[0]
    kq = _LANES * _FOLD * 2
    kpad = (k + kq - 1) // kq * kq
    pad = kpad - k
    gxp = jnp.pad(grid_points[:, 0], (0, pad), constant_values=jnp.inf)
    gyp = jnp.pad(grid_points[:, 1], (0, pad), constant_values=jnp.inf)
    sig = jnp.reshape(sigma, (1, 1)).astype(jnp.float32)

    m, kidxf, g_out = _nn_scan(y, gxp.reshape(1, kpad), gyp.reshape(1, kpad),
                               sig)
    qn = y.shape[0]
    kidx_flat = kidxf.astype(jnp.int32).reshape(qn * _NC)
    gxg, gyg = _sc_gather_cand(kidx_flat, gxp, gyp)
    kfin = _nn_resolve(y, m, kidxf, gxg.reshape(qn, _NC),
                       gyg.reshape(qn, _NC), k)
    u_out, v_out = _sc_gather_uv(kfin.reshape(qn), u_grid, v_grid)
    f_out = jnp.stack([u_out, v_out], axis=1)
    return f_out, g_out

# --- scband reference (transcript-rebuilt; emitter-appended) ---
"""Pipeline reference for scband-go-m-19069654794830 (READ-ONLY COPY).

The authoritative reference and input builder live on the scoring server;
editing this copy changes nothing except your own understanding.
"""

import jax, jax.numpy as jnp
import numpy as np

Q = 16384
K = 100000
CHUNK = 512

def setup_inputs(seed: int = 0) -> dict:
    key = jax.random.key(seed)
    k1, k2, k3, k4 = jax.random.split(key, 4)
    y = jax.random.normal(k1, (Q, 2), dtype=jnp.float32)
    grid_points = jax.random.normal(k2, (K, 2), dtype=jnp.float32)
    u_grid = jax.random.normal(k3, (K,), dtype=jnp.float32)
    v_grid = jax.random.normal(k4, (K,), dtype=jnp.float32)
    # learned parameter: sigma stored as log(sigma), preprocess = exp
    sigma = jnp.log(jnp.asarray(0.01, dtype=jnp.float32))
    return {"y": y, "grid_points": grid_points, "u_grid": u_grid, "v_grid": v_grid, "sigma": sigma}

def _nn_idx(y, grid_points):
    # cKDTree.query(y) equivalent: exact 1-nearest-neighbor by squared L2,
    # computed in query chunks to bound the Q x K distance matrix memory.
    def chunk_fn(yc):
        d2 = jnp.sum((yc[:, None, :] - grid_points[None, :, :]) ** 2, axis=-1)
        return jnp.argmin(d2, axis=1)
    ys = y.reshape(-1, CHUNK, 2)
    return jax.lax.map(chunk_fn, ys).reshape(-1)

def reference(y, grid_points, u_grid, v_grid, sigma):
    # GoM.f(t, y): nearest-grid-point velocity lookup
    idx = _nn_idx(y, grid_points)
    f_out = jnp.stack([jnp.take(u_grid, idx), jnp.take(v_grid, idx)], axis=1)
    # GoM.g(t, y): exp(sigma) + 0 * relu(y)  (diagonal diffusion, broadcast to y's shape)
    g_out = jnp.exp(sigma) + 0.0 * jax.nn.relu(y)
    return f_out, g_out

if __name__ == "__main__":
    import jax
    _d = setup_inputs()
    print(jax.jit(kernel)(*tuple(_d.values())))

</pallas_src>

<mosaic_0001>
#map = affine_map<(d0, d1) -> (0)>
module attributes {stable_mosaic.version = 14 : i64} {
  func.func @body(%arg0: i32, %arg1: i32, %arg2: memref<16384xi32, #tpu.memory_space<hbm>>, %arg3: memref<100000xf32, #tpu.memory_space<hbm>>, %arg4: memref<100000xf32, #tpu.memory_space<hbm>>, %arg5: memref<16384xf32, #tpu.memory_space<hbm>>, %arg6: memref<16384xf32, #tpu.memory_space<hbm>>, %arg7: memref<512xi32, #tpu.memory_space<vmem>>, %arg8: memref<512xf32, #tpu.memory_space<vmem>>, %arg9: memref<512xf32, #tpu.memory_space<vmem>>, %arg10: memref<!tpu.dma_semaphore, #tpu.memory_space<semaphore_mem>>, %arg11: memref<!tpu.dma_semaphore, #tpu.memory_space<semaphore_mem>>) attributes {dimension_semantics = [#tpu.dimension_semantics<core_parallel>, #tpu.dimension_semantics<subcore_parallel>], iteration_bounds = array<i64: 2, 16>, scalar_prefetch = 0 : i64, scratch_operands = 5 : i64, tpu.core_type = #tpu.core_type<sc_vector_subcore>, window_params = [{transform_indices = #map}, {transform_indices = #map}, {transform_indices = #map}, {transform_indices = #map}, {transform_indices = #map}]} {
    %mul3A = arith.constant 2 : i32
    %mul3A_0 = arith.muli %arg1, %mul3A : i32
    %add3A = arith.addi %mul3A_0, %arg0 : i32
    %mul3A_1 = arith.constant 512 : i32
    %mul3A_2 = arith.muli %add3A, %mul3A_1 : i32
    "tpu.region"() ({
      %run_scoped3A = tpu.sem_alloc : memref<!tpu.dma_semaphore, #tpu.memory_space<semaphore_mem>>
      %dma_start3A_9 = tpu.memref_slice %arg2[%mul3A_2] : memref<16384xi32, #tpu.memory_space<hbm>> -> memref<512xi32, #tpu.memory_space<hbm>>
      %dma_start3A_10 = tpu.memref_slice %arg2[%mul3A_2] : memref<16384xi32, #tpu.memory_space<hbm>> -> memref<512xi32, #tpu.memory_space<hbm>>
      tpu.enqueue_dma source(%dma_start3A_10 : memref<512xi32, #tpu.memory_space<hbm>>) target(%arg7 : memref<512xi32, #tpu.memory_space<vmem>>) target_semaphore(%run_scoped3A : memref<!tpu.dma_semaphore, #tpu.memory_space<semaphore_mem>>)
      %dma_wait3A_11 = tpu.memref_slice %arg2[%mul3A_2] : memref<16384xi32, #tpu.memory_space<hbm>> -> memref<512xi32, #tpu.memory_space<hbm>>
      %dma_wait3A_12 = tpu.memref_slice %arg2[%mul3A_2] : memref<16384xi32, #tpu.memory_space<hbm>> -> memref<512xi32, #tpu.memory_space<hbm>>
      tpu.wait_dma2 semaphore(%run_scoped3A : memref<!tpu.dma_semaphore, #tpu.memory_space<semaphore_mem>>) src(%dma_wait3A_12 : memref<512xi32, #tpu.memory_space<hbm>>) dst(%arg7 : memref<512xi32, #tpu.memory_space<vmem>>)
      tpu.yield
    }) : () -> ()
    %dma_start3A = arith.constant 0 : i32
    %dma_start3A_3 = tpu.memref_slice %arg3[%dma_start3A] : memref<100000xf32, #tpu.memory_space<hbm>> -> memref<100000xf32, #tpu.memory_space<hbm>>
    tpu.enqueue_indirect_dma source(%dma_start3A_3 : memref<100000xf32, #tpu.memory_space<hbm>>) target(%arg8 : memref<512xf32, #tpu.memory_space<vmem>>) offsets(%arg7 : memref<512xi32, #tpu.memory_space<vmem>>) semaphore(%arg10 : memref<!tpu.dma_semaphore, #tpu.memory_space<semaphore_mem>>)
    %dma_start3A_4 = arith.constant 0 : i32
    %dma_start3A_5 = tpu.memref_slice %arg4[%dma_start3A_4] : memref<100000xf32, #tpu.memory_space<hbm>> -> memref<100000xf32, #tpu.memory_space<hbm>>
    tpu.enqueue_indirect_dma source(%dma_start3A_5 : memref<100000xf32, #tpu.memory_space<hbm>>) target(%arg9 : memref<512xf32, #tpu.memory_space<vmem>>) offsets(%arg7 : memref<512xi32, #tpu.memory_space<vmem>>) semaphore(%arg11 : memref<!tpu.dma_semaphore, #tpu.memory_space<semaphore_mem>>)
    %dma_wait3A = arith.constant 0 : i32
    %dma_wait3A_6 = tpu.memref_slice %arg3[%dma_wait3A] : memref<100000xf32, #tpu.memory_space<hbm>> -> memref<100000xf32, #tpu.memory_space<hbm>>
    tpu.wait_indirect_dma semaphore(%arg10 : memref<!tpu.dma_semaphore, #tpu.memory_space<semaphore_mem>>) src(%dma_wait3A_6 : memref<100000xf32, #tpu.memory_space<hbm>>) dst(%arg8 : memref<512xf32, #tpu.memory_space<vmem>>)
    %dma_wait3A_7 = arith.constant 0 : i32
    %dma_wait3A_8 = tpu.memref_slice %arg4[%dma_wait3A_7] : memref<100000xf32, #tpu.memory_space<hbm>> -> memref<100000xf32, #tpu.memory_space<hbm>>
    tpu.wait_indirect_dma semaphore(%arg11 : memref<!tpu.dma_semaphore, #tpu.memory_space<semaphore_mem>>) src(%dma_wait3A_8 : memref<100000xf32, #tpu.memory_space<hbm>>) dst(%arg9 : memref<512xf32, #tpu.memory_space<vmem>>)
    "tpu.region"() ({
      %run_scoped3A = tpu.sem_alloc : memref<!tpu.dma_semaphore, #tpu.memory_space<semaphore_mem>>
      %dma_start3A_9 = tpu.memref_slice %arg5[%mul3A_2] : memref<16384xf32, #tpu.memory_space<hbm>> -> memref<512xf32, #tpu.memory_space<hbm>>
      %dma_start3A_10 = tpu.memref_slice %arg5[%mul3A_2] : memref<16384xf32, #tpu.memory_space<hbm>> -> memref<512xf32, #tpu.memory_space<hbm>>
      tpu.enqueue_dma source(%arg8 : memref<512xf32, #tpu.memory_space<vmem>>) target(%dma_start3A_10 : memref<512xf32, #tpu.memory_space<hbm>>) target_semaphore(%run_scoped3A : memref<!tpu.dma_semaphore, #tpu.memory_space<semaphore_mem>>)
      %dma_wait3A_11 = tpu.memref_slice %arg5[%mul3A_2] : memref<16384xf32, #tpu.memory_space<hbm>> -> memref<512xf32, #tpu.memory_space<hbm>>
      %dma_wait3A_12 = tpu.memref_slice %arg5[%mul3A_2] : memref<16384xf32, #tpu.memory_space<hbm>> -> memref<512xf32, #tpu.memory_space<hbm>>
      tpu.wait_dma2 semaphore(%run_scoped3A : memref<!tpu.dma_semaphore, #tpu.memory_space<semaphore_mem>>) src(%arg8 : memref<512xf32, #tpu.memory_space<vmem>>) dst(%dma_wait3A_12 : memref<512xf32, #tpu.memory_space<hbm>>)
      tpu.yield
    }) : () -> ()
    "tpu.region"() ({
      %run_scoped3A = tpu.sem_alloc : memref<!tpu.dma_semaphore, #tpu.memory_space<semaphore_mem>>
      %dma_start3A_9 = tpu.memref_slice %arg6[%mul3A_2] : memref<16384xf32, #tpu.memory_space<hbm>> -> memref<512xf32, #tpu.memory_space<hbm>>
      %dma_start3A_10 = tpu.memref_slice %arg6[%mul3A_2] : memref<16384xf32, #tpu.memory_space<hbm>> -> memref<512xf32, #tpu.memory_space<hbm>>
      tpu.enqueue_dma source(%arg9 : memref<512xf32, #tpu.memory_space<vmem>>) target(%dma_start3A_10 : memref<512xf32, #tpu.memory_space<hbm>>) target_semaphore(%run_scoped3A : memref<!tpu.dma_semaphore, #tpu.memory_space<semaphore_mem>>)
      %dma_wait3A_11 = tpu.memref_slice %arg6[%mul3A_2] : memref<16384xf32, #tpu.memory_space<hbm>> -> memref<512xf32, #tpu.memory_space<hbm>>
      %dma_wait3A_12 = tpu.memref_slice %arg6[%mul3A_2] : memref<16384xf32, #tpu.memory_space<hbm>> -> memref<512xf32, #tpu.memory_space<hbm>>
      tpu.wait_dma2 semaphore(%run_scoped3A : memref<!tpu.dma_semaphore, #tpu.memory_space<semaphore_mem>>) src(%arg9 : memref<512xf32, #tpu.memory_space<vmem>>) dst(%dma_wait3A_12 : memref<512xf32, #tpu.memory_space<hbm>>)
      tpu.yield
    }) : () -> ()
    return
  }
}

#map = affine_map<(d0, d1) -> (0)>
module attributes {stable_mosaic.version = 14 : i64} {
  func.func @body(%arg0: i32, %arg1: i32, %arg2: memref<524288xi32, #tpu.memory_space<hbm>>, %arg3: memref<102400xf32, #tpu.memory_space<hbm>>, %arg4: memref<102400xf32, #tpu.memory_space<hbm>>, %arg5: memref<524288xf32, #tpu.memory_space<hbm>>, %arg6: memref<524288xf32, #tpu.memory_space<hbm>>, %arg7: memref<16384xi32, #tpu.memory_space<vmem>>, %arg8: memref<16384xf32, #tpu.memory_space<vmem>>, %arg9: memref<16384xf32, #tpu.memory_space<vmem>>, %arg10: memref<!tpu.dma_semaphore, #tpu.memory_space<semaphore_mem>>, %arg11: memref<!tpu.dma_semaphore, #tpu.memory_space<semaphore_mem>>) attributes {dimension_semantics = [#tpu.dimension_semantics<core_parallel>, #tpu.dimension_semantics<subcore_parallel>], iteration_bounds = array<i64: 2, 16>, scalar_prefetch = 0 : i64, scratch_operands = 5 : i64, tpu.core_type = #tpu.core_type<sc_vector_subcore>, window_params = [{transform_indices = #map}, {transform_indices = #map}, {transform_indices = #map}, {transform_indices = #map}, {transform_indices = #map}]} {
    %mul3A = arith.constant 2 : i32
    %mul3A_0 = arith.muli %arg1, %mul3A : i32
    %add3A = arith.addi %mul3A_0, %arg0 : i32
    %mul3A_1 = arith.constant 16384 : i32
    %mul3A_2 = arith.muli %add3A, %mul3A_1 : i32
    "tpu.region"() ({
      %run_scoped3A = tpu.sem_alloc : memref<!tpu.dma_semaphore, #tpu.memory_space<semaphore_mem>>
      %dma_start3A = tpu.memref_slice %arg2[%mul3A_2] : memref<524288xi32, #tpu.memory_space<hbm>> -> memref<16384xi32, #tpu.memory_space<hbm>>
      %dma_start3A_8 = tpu.memref_slice %arg2[%mul3A_2] : memref<524288xi32, #tpu.memory_space<hbm>> -> memref<16384xi32, #tpu.memory_space<hbm>>
      tpu.enqueue_dma source(%dma_start3A_8 : memref<16384xi32, #tpu.memory_space<hbm>>) target(%arg7 : memref<16384xi32, #tpu.memory_space<vmem>>) target_semaphore(%run_scoped3A : memref<!tpu.dma_semaphore, #tpu.memory_space<semaphore_mem>>)
      %dma_wait3A = tpu.memref_slice %arg2[%mul3A_2] : memref<524288xi32, #tpu.memory_space<hbm>> -> memref<16384xi32, #tpu.memory_space<hbm>>
      %dma_wait3A_9 = tpu.memref_slice %arg2[%mul3A_2] : memref<524288xi32, #tpu.memory_space<hbm>> -> memref<16384xi32, #tpu.memory_space<hbm>>
      tpu.wait_dma2 semaphore(%run_scoped3A : memref<!tpu.dma_semaphore, #tpu.memory_space<semaphore_mem>>) src(%dma_wait3A_9 : memref<16384xi32, #tpu.memory_space<hbm>>) dst(%arg7 : memref<16384xi32, #tpu.memory_space<vmem>>)
      tpu.yield
    }) : () -> ()
    %scan3A = arith.constant 0 : i32
    %scan3A_3 = arith.constant 0 : i32
    %scan3A_4 = arith.constant 32 : i32
    %scan3A_5 = arith.addi %scan3A_3, %scan3A_4 : i32
    %scan3A_6 = arith.constant 1 : i32
    scf.for %scan3A_8 = %scan3A_3 to %scan3A_5 step %scan3A_6  : i32 {
      %mul3A_9 = arith.constant 512 : i32
      %mul3A_10 = arith.muli %scan3A_8, %mul3A_9 : i32
      %dma_start3A = tpu.memref_slice %arg8[%mul3A_10] : memref<16384xf32, #tpu.memory_space<vmem>> -> memref<512xf32, #tpu.memory_space<vmem>>
      %dma_start3A_11 = tpu.memref_slice %arg7[%mul3A_10] : memref<16384xi32, #tpu.memory_space<vmem>> -> memref<512xi32, #tpu.memory_space<vmem>>
      %dma_start3A_12 = arith.constant 0 : i32
      %dma_start3A_13 = tpu.memref_slice %arg3[%dma_start3A_12] : memref<102400xf32, #tpu.memory_space<hbm>> -> memref<102400xf32, #tpu.memory_space<hbm>>
      tpu.enqueue_indirect_dma source(%dma_start3A_13 : memref<102400xf32, #tpu.memory_space<hbm>>) target(%dma_start3A : memref<512xf32, #tpu.memory_space<vmem>>) offsets(%dma_start3A_11 : memref<512xi32, #tpu.memory_space<vmem>>) semaphore(%arg10 : memref<!tpu.dma_semaphore, #tpu.memory_space<semaphore_mem>>)
      %dma_start3A_14 = tpu.memref_slice %arg9[%mul3A_10] : memref<16384xf32, #tpu.memory_space<vmem>> -> memref<512xf32, #tpu.memory_space<vmem>>
      %dma_start3A_15 = tpu.memref_slice %arg7[%mul3A_10] : memref<16384xi32, #tpu.memory_space<vmem>> -> memref<512xi32, #tpu.memory_space<vmem>>
      %dma_start3A_16 = arith.constant 0 : i32
      %dma_start3A_17 = tpu.memref_slice %arg4[%dma_start3A_16] : memref<102400xf32, #tpu.memory_space<hbm>> -> memref<102400xf32, #tpu.memory_space<hbm>>
      tpu.enqueue_indirect_dma source(%dma_start3A_17 : memref<102400xf32, #tpu.memory_space<hbm>>) target(%dma_start3A_14 : memref<512xf32, #tpu.memory_space<vmem>>) offsets(%dma_start3A_15 : memref<512xi32, #tpu.memory_space<vmem>>) semaphore(%arg11 : memref<!tpu.dma_semaphore, #tpu.memory_space<semaphore_mem>>)
      %dma_wait3A = tpu.memref_slice %arg8[%mul3A_10] : memref<16384xf32, #tpu.memory_space<vmem>> -> memref<512xf32, #tpu.memory_space<vmem>>
      %dma_wait3A_18 = tpu.memref_slice %arg7[%mul3A_10] : memref<16384xi32, #tpu.memory_space<vmem>> -> memref<512xi32, #tpu.memory_space<vmem>>
      %dma_wait3A_19 = arith.constant 0 : i32
      %dma_wait3A_20 = tpu.memref_slice %arg3[%dma_wait3A_19] : memref<102400xf32, #tpu.memory_space<hbm>> -> memref<102400xf32, #tpu.memory_space<hbm>>
      tpu.wait_indirect_dma semaphore(%arg10 : memref<!tpu.dma_semaphore, #tpu.memory_space<semaphore_mem>>) src(%dma_wait3A_20 : memref<102400xf32, #tpu.memory_space<hbm>>) dst(%dma_wait3A : memref<512xf32, #tpu.memory_space<vmem>>)
      %dma_wait3A_21 = tpu.memref_slice %arg9[%mul3A_10] : memref<16384xf32, #tpu.memory_space<vmem>> -> memref<512xf32, #tpu.memory_space<vmem>>
      %dma_wait3A_22 = tpu.memref_slice %arg7[%mul3A_10] : memref<16384xi32, #tpu.memory_space<vmem>> -> memref<512xi32, #tpu.memory_space<vmem>>
      %dma_wait3A_23 = arith.constant 0 : i32
      %dma_wait3A_24 = tpu.memref_slice %arg4[%dma_wait3A_23] : memref<102400xf32, #tpu.memory_space<hbm>> -> memref<102400xf32, #tpu.memory_space<hbm>>
      tpu.wait_indirect_dma semaphore(%arg11 : memref<!tpu.dma_semaphore, #tpu.memory_space<semaphore_mem>>) src(%dma_wait3A_24 : memref<102400xf32, #tpu.memory_space<hbm>>) dst(%dma_wait3A_21 : memref<512xf32, #tpu.memory_space<vmem>>)
    }
    %scan3A_7 = arith.constant 32 : i32
    "tpu.region"() ({
      %run_scoped3A = tpu.sem_alloc : memref<!tpu.dma_semaphore, #tpu.memory_space<semaphore_mem>>
      %dma_start3A = tpu.memref_slice %arg5[%mul3A_2] : memref<524288xf32, #tpu.memory_space<hbm>> -> memref<16384xf32, #tpu.memory_space<hbm>>
      %dma_start3A_8 = tpu.memref_slice %arg5[%mul3A_2] : memref<524288xf32, #tpu.memory_space<hbm>> -> memref<16384xf32, #tpu.memory_space<hbm>>
      tpu.enqueue_dma source(%arg8 : memref<16384xf32, #tpu.memory_space<vmem>>) target(%dma_start3A_8 : memref<16384xf32, #tpu.memory_space<hbm>>) target_semaphore(%run_scoped3A : memref<!tpu.dma_semaphore, #tpu.memory_space<semaphore_mem>>)
      %dma_wait3A = tpu.memref_slice %arg5[%mul3A_2] : memref<524288xf32, #tpu.memory_space<hbm>> -> memref<16384xf32, #tpu.memory_space<hbm>>
      %dma_wait3A_9 = tpu.memref_slice %arg5[%mul3A_2] : memref<524288xf32, #tpu.memory_space<hbm>> -> memref<16384xf32, #tpu.memory_space<hbm>>
      tpu.wait_dma2 semaphore(%run_scoped3A : memref<!tpu.dma_semaphore, #tpu.memory_space<semaphore_mem>>) src(%arg8 : memref<16384xf32, #tpu.memory_space<vmem>>) dst(%dma_wait3A_9 : memref<16384xf32, #tpu.memory_space<hbm>>)
      tpu.yield
    }) : () -> ()
    "tpu.region"() ({
      %run_scoped3A = tpu.sem_alloc : memref<!tpu.dma_semaphore, #tpu.memory_space<semaphore_mem>>
      %dma_start3A = tpu.memref_slice %arg6[%mul3A_2] : memref<524288xf32, #tpu.memory_space<hbm>> -> memref<16384xf32, #tpu.memory_space<hbm>>
      %dma_start3A_8 = tpu.memref_slice %arg6[%mul3A_2] : memref<524288xf32, #tpu.memory_space<hbm>> -> memref<16384xf32, #tpu.memory_space<hbm>>
      tpu.enqueue_dma source(%arg9 : memref<16384xf32, #tpu.memory_space<vmem>>) target(%dma_start3A_8 : memref<16384xf32, #tpu.memory_space<hbm>>) target_semaphore(%run_scoped3A : memref<!tpu.dma_semaphore, #tpu.memory_space<semaphore_mem>>)
      %dma_wait3A = tpu.memref_slice %arg6[%mul3A_2] : memref<524288xf32, #tpu.memory_space<hbm>> -> memref<16384xf32, #tpu.memory_space<hbm>>
      %dma_wait3A_9 = tpu.memref_slice %arg6[%mul3A_2] : memref<524288xf32, #tpu.memory_space<hbm>> -> memref<16384xf32, #tpu.memory_space<hbm>>
      tpu.wait_dma2 semaphore(%run_scoped3A : memref<!tpu.dma_semaphore, #tpu.memory_space<semaphore_mem>>) src(%arg9 : memref<16384xf32, #tpu.memory_space<vmem>>) dst(%dma_wait3A_9 : memref<16384xf32, #tpu.memory_space<hbm>>)
      tpu.yield
    }) : () -> ()
    return
  }
}

module attributes {stable_mosaic.version = 14 : i64} {
  func.func @_nn_body(%arg0: i32, %arg1: memref<2048x2xf32, #tpu.memory_space<vmem>>, %arg2: memref<1x102400xf32, #tpu.memory_space<vmem>>, %arg3: memref<1x102400xf32, #tpu.memory_space<vmem>>, %arg4: memref<1x1xf32, #tpu.memory_space<vmem>>, %arg5: memref<2048x1xf32, #tpu.memory_space<vmem>>, %arg6: memref<2048x32xf32, #tpu.memory_space<vmem>>, %arg7: memref<2048x2xf32, #tpu.memory_space<vmem>>) attributes {dimension_semantics = [#tpu.dimension_semantics<arbitrary>], iteration_bounds = array<i64: 8>, scalar_prefetch = 0 : i64, scratch_operands = 0 : i64, tpu.core_type = #tpu.core_type<tc>, window_params = [{transform_indices = @transform_0, window_bounds = array<i64: 2048, 2>}, {pipeline_mode = #tpu.pipeline_mode<synchronous>, transform_indices = @transform_1, window_bounds = array<i64: 1, 102400>}, {pipeline_mode = #tpu.pipeline_mode<synchronous>, transform_indices = @transform_2, window_bounds = array<i64: 1, 102400>}, {pipeline_mode = #tpu.pipeline_mode<synchronous>, transform_indices = @transform_3, window_bounds = array<i64: 1, 1>}, {transform_indices = @transform_4, window_bounds = array<i64: 2048, 1>}, {transform_indices = @transform_5, window_bounds = array<i64: 2048, 32>}, {transform_indices = @transform_6, window_bounds = array<i64: 2048, 2>}]} {
    %get3A = arith.constant 0 : index
    %get3A_0 = arith.constant 0 : index
    %get3A_1 = vector.load %arg1[%get3A, %get3A_0] : memref<2048x2xf32, #tpu.memory_space<vmem>>, vector<2048x1xf32>
    %get3A_2 = arith.constant 0 : index
    %get3A_3 = arith.constant 1 : index
    %get3A_4 = vector.load %arg1[%get3A_2, %get3A_3] : memref<2048x2xf32, #tpu.memory_space<vmem>>, vector<2048x1xf32>
    %iota3A = tpu.iota {dimensions = array<i32: 1>} : vector<1x128xi32>
    %convert_element_type3A = arith.sitofp %iota3A : vector<1x128xi32> to vector<1x128xf32>
    %broadcast_in_dim3A = arith.constant 0x7F800000 : f32
    %broadcast_in_dim3A_5 = vector.broadcast %broadcast_in_dim3A : f32 to vector<2048x128xf32>
    %broadcast_in_dim3A_6 = arith.constant 0.000000e+00 : f32
    %broadcast_in_dim3A_7 = vector.broadcast %broadcast_in_dim3A_6 : f32 to vector<2048x128xf32>
    %scan3A = arith.constant 0 : i32
    %scan3A_8 = arith.constant 25 : i32
    %scan3A_9 = arith.addi %scan3A, %scan3A_8 : i32
    %scan3A_10 = arith.constant 1 : i32
    %scan3A_11:2 = scf.for %scan3A_95 = %scan3A to %scan3A_9 step %scan3A_10 iter_args(%scan3A_96 = %broadcast_in_dim3A_5, %scan3A_97 = %broadcast_in_dim3A_7) -> (vector<2048x128xf32>, vector<2048x128xf32>)  : i32 {
      %mul3A_98 = arith.constant 2 : i32
      %mul3A_99 = arith.muli %scan3A_95, %mul3A_98 : i32
      %mul3A_100 = arith.constant 16 : i32
      %mul3A_101 = arith.muli %mul3A_99, %mul3A_100 : i32
      %add3A_102 = arith.constant 0 : i32
      %add3A_103 = arith.addi %mul3A_101, %add3A_102 : i32
      %mul3A_104 = arith.constant 128 : i32
      %mul3A_105 = arith.muli %add3A_103, %mul3A_104 : i32
      %multiple_of3A = tpu.assume_multiple %mul3A_105, 128 : i32
      %get3A_106 = arith.constant 0 : index
      %get3A_107 = arith.index_cast %multiple_of3A : i32 to index
      %get3A_108 = vector.load %arg2[%get3A_106, %get3A_107] : memref<1x102400xf32, #tpu.memory_space<vmem>>, vector<1x128xf32>
      %get3A_109 = arith.constant 0 : index
      %get3A_110 = arith.index_cast %multiple_of3A : i32 to index
      %get3A_111 = vector.load %arg3[%get3A_109, %get3A_110] : memref<1x102400xf32, #tpu.memory_space<vmem>>, vector<1x128xf32>
      %sub3A_112 = vector.broadcast %get3A_1 : vector<2048x1xf32> to vector<2048x128xf32>
      %sub3A_113 = vector.broadcast %get3A_108 : vector<1x128xf32> to vector<2048x128xf32>
      %sub3A_114 = arith.subf %sub3A_112, %sub3A_113 : vector<2048x128xf32>
      %sub3A_115 = vector.broadcast %get3A_4 : vector<2048x1xf32> to vector<2048x128xf32>
      %sub3A_116 = vector.broadcast %get3A_111 : vector<1x128xf32> to vector<2048x128xf32>
      %sub3A_117 = arith.subf %sub3A_115, %sub3A_116 : vector<2048x128xf32>
      %mul3A_118 = arith.mulf %sub3A_114, %sub3A_114 : vector<2048x128xf32>
      %mul3A_119 = arith.mulf %sub3A_117, %sub3A_117 : vector<2048x128xf32>
      %add3A_120 = arith.addf %mul3A_118, %mul3A_119 : vector<2048x128xf32>
      %mul3A_121 = arith.constant 16 : i32
      %mul3A_122 = arith.muli %mul3A_99, %mul3A_121 : i32
      %add3A_123 = arith.constant 1 : i32
      %add3A_124 = arith.addi %mul3A_122, %add3A_123 : i32
      %mul3A_125 = arith.constant 128 : i32
      %mul3A_126 = arith.muli %add3A_124, %mul3A_125 : i32
      %multiple_of3A_127 = tpu.assume_multiple %mul3A_126, 128 : i32
      %get3A_128 = arith.constant 0 : index
      %get3A_129 = arith.index_cast %multiple_of3A_127 : i32 to index
      %get3A_130 = vector.load %arg2[%get3A_128, %get3A_129] : memref<1x102400xf32, #tpu.memory_space<vmem>>, vector<1x128xf32>
      %get3A_131 = arith.constant 0 : index
      %get3A_132 = arith.index_cast %multiple_of3A_127 : i32 to index
      %get3A_133 = vector.load %arg3[%get3A_131, %get3A_132] : memref<1x102400xf32, #tpu.memory_space<vmem>>, vector<1x128xf32>
      %sub3A_134 = vector.broadcast %get3A_1 : vector<2048x1xf32> to vector<2048x128xf32>
      %sub3A_135 = vector.broadcast %get3A_130 : vector<1x128xf32> to vector<2048x128xf32>
      %sub3A_136 = arith.subf %sub3A_134, %sub3A_135 : vector<2048x128xf32>
      %sub3A_137 = vector.broadcast %get3A_4 : vector<2048x1xf32> to vector<2048x128xf32>
      %sub3A_138 = vector.broadcast %get3A_133 : vector<1x128xf32> to vector<2048x128xf32>
      %sub3A_139 = arith.subf %sub3A_137, %sub3A_138 : vector<2048x128xf32>
      %mul3A_140 = arith.mulf %sub3A_136, %sub3A_136 : vector<2048x128xf32>
      %mul3A_141 = arith.mulf %sub3A_139, %sub3A_139 : vector<2048x128xf32>
      %add3A_142 = arith.addf %mul3A_140, %mul3A_141 : vector<2048x128xf32>
      %min3A = arith.minimumf %add3A_120, %add3A_142 : vector<2048x128xf32>
      %mul3A_143 = arith.constant 16 : i32
      %mul3A_144 = arith.muli %mul3A_99, %mul3A_143 : i32
      %add3A_145 = arith.constant 2 : i32
      %add3A_146 = arith.addi %mul3A_144, %add3A_145 : i32
      %mul3A_147 = arith.constant 128 : i32
      %mul3A_148 = arith.muli %add3A_146, %mul3A_147 : i32
      %multiple_of3A_149 = tpu.assume_multiple %mul3A_148, 128 : i32
      %get3A_150 = arith.constant 0 : index
      %get3A_151 = arith.index_cast %multiple_of3A_149 : i32 to index
      %get3A_152 = vector.load %arg2[%get3A_150, %get3A_151] : memref<1x102400xf32, #tpu.memory_space<vmem>>, vector<1x128xf32>
      %get3A_153 = arith.constant 0 : index
      %get3A_154 = arith.index_cast %multiple_of3A_149 : i32 to index
      %get3A_155 = vector.load %arg3[%get3A_153, %get3A_154] : memref<1x102400xf32, #tpu.memory_space<vmem>>, vector<1x128xf32>
      %sub3A_156 = vector.broadcast %get3A_1 : vector<2048x1xf32> to vector<2048x128xf32>
      %sub3A_157 = vector.broadcast %get3A_152 : vector<1x128xf32> to vector<2048x128xf32>
      %sub3A_158 = arith.subf %sub3A_156, %sub3A_157 : vector<2048x128xf32>
      %sub3A_159 = vector.broadcast %get3A_4 : vector<2048x1xf32> to vector<2048x128xf32>
      %sub3A_160 = vector.broadcast %get3A_155 : vector<1x128xf32> to vector<2048x128xf32>
      %sub3A_161 = arith.subf %sub3A_159, %sub3A_160 : vector<2048x128xf32>
      %mul3A_162 = arith.mulf %sub3A_158, %sub3A_158 : vector<2048x128xf32>
      %mul3A_163 = arith.mulf %sub3A_161, %sub3A_161 : vector<2048x128xf32>
      %add3A_164 = arith.addf %mul3A_162, %mul3A_163 : vector<2048x128xf32>
      %min3A_165 = arith.minimumf %min3A, %add3A_164 : vector<2048x128xf32>
      %mul3A_166 = arith.constant 16 : i32
      %mul3A_167 = arith.muli %mul3A_99, %mul3A_166 : i32
      %add3A_168 = arith.constant 3 : i32
      %add3A_169 = arith.addi %mul3A_167, %add3A_168 : i32
      %mul3A_170 = arith.constant 128 : i32
      %mul3A_171 = arith.muli %add3A_169, %mul3A_170 : i32
      %multiple_of3A_172 = tpu.assume_multiple %mul3A_171, 128 : i32
      %get3A_173 = arith.constant 0 : index
      %get3A_174 = arith.index_cast %multiple_of3A_172 : i32 to index
      %get3A_175 = vector.load %arg2[%get3A_173, %get3A_174] : memref<1x102400xf32, #tpu.memory_space<vmem>>, vector<1x128xf32>
      %get3A_176 = arith.constant 0 : index
      %get3A_177 = arith.index_cast %multiple_of3A_172 : i32 to index
      %get3A_178 = vector.load %arg3[%get3A_176, %get3A_177] : memref<1x102400xf32, #tpu.memory_space<vmem>>, vector<1x128xf32>
      %sub3A_179 = vector.broadcast %get3A_1 : vector<2048x1xf32> to vector<2048x128xf32>
      %sub3A_180 = vector.broadcast %get3A_175 : vector<1x128xf32> to vector<2048x128xf32>
      %sub3A_181 = arith.subf %sub3A_179, %sub3A_180 : vector<2048x128xf32>
      %sub3A_182 = vector.broadcast %get3A_4 : vector<2048x1xf32> to vector<2048x128xf32>
      %sub3A_183 = vector.broadcast %get3A_178 : vector<1x128xf32> to vector<2048x128xf32>
      %sub3A_184 = arith.subf %sub3A_182, %sub3A_183 : vector<2048x128xf32>
      %mul3A_185 = arith.mulf %sub3A_181, %sub3A_181 : vector<2048x128xf32>
      %mul3A_186 = arith.mulf %sub3A_184, %sub3A_184 : vector<2048x128xf32>
      %add3A_187 = arith.addf %mul3A_185, %mul3A_186 : vector<2048x128xf32>
      %min3A_188 = arith.minimumf %min3A_165, %add3A_187 : vector<2048x128xf32>
      %mul3A_189 = arith.constant 16 : i32
      %mul3A_190 = arith.muli %mul3A_99, %mul3A_189 : i32
      %add3A_191 = arith.constant 4 : i32
      %add3A_192 = arith.addi %mul3A_190, %add3A_191 : i32
      %mul3A_193 = arith.constant 128 : i32
      %mul3A_194 = arith.muli %add3A_192, %mul3A_193 : i32
      %multiple_of3A_195 = tpu.assume_multiple %mul3A_194, 128 : i32
      %get3A_196 = arith.constant 0 : index
      %get3A_197 = arith.index_cast %multiple_of3A_195 : i32 to index
      %get3A_198 = vector.load %arg2[%get3A_196, %get3A_197] : memref<1x102400xf32, #tpu.memory_space<vmem>>, vector<1x128xf32>
      %get3A_199 = arith.constant 0 : index
      %get3A_200 = arith.index_cast %multiple_of3A_195 : i32 to index
      %get3A_201 = vector.load %arg3[%get3A_199, %get3A_200] : memref<1x102400xf32, #tpu.memory_space<vmem>>, vector<1x128xf32>
      %sub3A_202 = vector.broadcast %get3A_1 : vector<2048x1xf32> to vector<2048x128xf32>
      %sub3A_203 = vector.broadcast %get3A_198 : vector<1x128xf32> to vector<2048x128xf32>
      %sub3A_204 = arith.subf %sub3A_202, %sub3A_203 : vector<2048x128xf32>
      %sub3A_205 = vector.broadcast %get3A_4 : vector<2048x1xf32> to vector<2048x128xf32>
      %sub3A_206 = vector.broadcast %get3A_201 : vector<1x128xf32> to vector<2048x128xf32>
      %sub3A_207 = arith.subf %sub3A_205, %sub3A_206 : vector<2048x128xf32>
      %mul3A_208 = arith.mulf %sub3A_204, %sub3A_204 : vector<2048x128xf32>
      %mul3A_209 = arith.mulf %sub3A_207, %sub3A_207 : vector<2048x128xf32>
      %add3A_210 = arith.addf %mul3A_208, %mul3A_209 : vector<2048x128xf32>
      %min3A_211 = arith.minimumf %min3A_188, %add3A_210 : vector<2048x128xf32>
      %mul3A_212 = arith.constant 16 : i32
      %mul3A_213 = arith.muli %mul3A_99, %mul3A_212 : i32
      %add3A_214 = arith.constant 5 : i32
      %add3A_215 = arith.addi %mul3A_213, %add3A_214 : i32
      %mul3A_216 = arith.constant 128 : i32
      %mul3A_217 = arith.muli %add3A_215, %mul3A_216 : i32
      %multiple_of3A_218 = tpu.assume_multiple %mul3A_217, 128 : i32
      %get3A_219 = arith.constant 0 : index
      %get3A_220 = arith.index_cast %multiple_of3A_218 : i32 to index
      %get3A_221 = vector.load %arg2[%get3A_219, %get3A_220] : memref<1x102400xf32, #tpu.memory_space<vmem>>, vector<1x128xf32>
      %get3A_222 = arith.constant 0 : index
      %get3A_223 = arith.index_cast %multiple_of3A_218 : i32 to index
      %get3A_224 = vector.load %arg3[%get3A_222, %get3A_223] : memref<1x102400xf32, #tpu.memory_space<vmem>>, vector<1x128xf32>
      %sub3A_225 = vector.broadcast %get3A_1 : vector<2048x1xf32> to vector<2048x128xf32>
      %sub3A_226 = vector.broadcast %get3A_221 : vector<1x128xf32> to vector<2048x128xf32>
      %sub3A_227 = arith.subf %sub3A_225, %sub3A_226 : vector<2048x128xf32>
      %sub3A_228 = vector.broadcast %get3A_4 : vector<2048x1xf32> to vector<2048x128xf32>
      %sub3A_229 = vector.broadcast %get3A_224 : vector<1x128xf32> to vector<2048x128xf32>
      %sub3A_230 = arith.subf %sub3A_228, %sub3A_229 : vector<2048x128xf32>
      %mul3A_231 = arith.mulf %sub3A_227, %sub3A_227 : vector<2048x128xf32>
      %mul3A_232 = arith.mulf %sub3A_230, %sub3A_230 : vector<2048x128xf32>
      %add3A_233 = arith.addf %mul3A_231, %mul3A_232 : vector<2048x128xf32>
      %min3A_234 = arith.minimumf %min3A_211, %add3A_233 : vector<2048x128xf32>
      %mul3A_235 = arith.constant 16 : i32
      %mul3A_236 = arith.muli %mul3A_99, %mul3A_235 : i32
      %add3A_237 = arith.constant 6 : i32
      %add3A_238 = arith.addi %mul3A_236, %add3A_237 : i32
      %mul3A_239 = arith.constant 128 : i32
      %mul3A_240 = arith.muli %add3A_238, %mul3A_239 : i32
      %multiple_of3A_241 = tpu.assume_multiple %mul3A_240, 128 : i32
      %get3A_242 = arith.constant 0 : index
      %get3A_243 = arith.index_cast %multiple_of3A_241 : i32 to index
      %get3A_244 = vector.load %arg2[%get3A_242, %get3A_243] : memref<1x102400xf32, #tpu.memory_space<vmem>>, vector<1x128xf32>
      %get3A_245 = arith.constant 0 : index
      %get3A_246 = arith.index_cast %multiple_of3A_241 : i32 to index
      %get3A_247 = vector.load %arg3[%get3A_245, %get3A_246] : memref<1x102400xf32, #tpu.memory_space<vmem>>, vector<1x128xf32>
      %sub3A_248 = vector.broadcast %get3A_1 : vector<2048x1xf32> to vector<2048x128xf32>
      %sub3A_249 = vector.broadcast %get3A_244 : vector<1x128xf32> to vector<2048x128xf32>
      %sub3A_250 = arith.subf %sub3A_248, %sub3A_249 : vector<2048x128xf32>
      %sub3A_251 = vector.broadcast %get3A_4 : vector<2048x1xf32> to vector<2048x128xf32>
      %sub3A_252 = vector.broadcast %get3A_247 : vector<1x128xf32> to vector<2048x128xf32>
      %sub3A_253 = arith.subf %sub3A_251, %sub3A_252 : vector<2048x128xf32>
      %mul3A_254 = arith.mulf %sub3A_250, %sub3A_250 : vector<2048x128xf32>
      %mul3A_255 = arith.mulf %sub3A_253, %sub3A_253 : vector<2048x128xf32>
      %add3A_256 = arith.addf %mul3A_254, %mul3A_255 : vector<2048x128xf32>
      %min3A_257 = arith.minimumf %min3A_234, %add3A_256 : vector<2048x128xf32>
      %mul3A_258 = arith.constant 16 : i32
      %mul3A_259 = arith.muli %mul3A_99, %mul3A_258 : i32
      %add3A_260 = arith.constant 7 : i32
      %add3A_261 = arith.addi %mul3A_259, %add3A_260 : i32
      %mul3A_262 = arith.constant 128 : i32
      %mul3A_263 = arith.muli %add3A_261, %mul3A_262 : i32
      %multiple_of3A_264 = tpu.assume_multiple %mul3A_263, 128 : i32
      %get3A_265 = arith.constant 0 : index
      %get3A_266 = arith.index_cast %multiple_of3A_264 : i32 to index
      %get3A_267 = vector.load %arg2[%get3A_265, %get3A_266] : memref<1x102400xf32, #tpu.memory_space<vmem>>, vector<1x128xf32>
      %get3A_268 = arith.constant 0 : index
      %get3A_269 = arith.index_cast %multiple_of3A_264 : i32 to index
      %get3A_270 = vector.load %arg3[%get3A_268, %get3A_269] : memref<1x102400xf32, #tpu.memory_space<vmem>>, vector<1x128xf32>
      %sub3A_271 = vector.broadcast %get3A_1 : vector<2048x1xf32> to vector<2048x128xf32>
      %sub3A_272 = vector.broadcast %get3A_267 : vector<1x128xf32> to vector<2048x128xf32>
      %sub3A_273 = arith.subf %sub3A_271, %sub3A_272 : vector<2048x128xf32>
      %sub3A_274 = vector.broadcast %get3A_4 : vector<2048x1xf32> to vector<2048x128xf32>
      %sub3A_275 = vector.broadcast %get3A_270 : vector<1x128xf32> to vector<2048x128xf32>
      %sub3A_276 = arith.subf %sub3A_274, %sub3A_275 : vector<2048x128xf32>
      %mul3A_277 = arith.mulf %sub3A_273, %sub3A_273 : vector<2048x128xf32>
      %mul3A_278 = arith.mulf %sub3A_276, %sub3A_276 : vector<2048x128xf32>
      %add3A_279 = arith.addf %mul3A_277, %mul3A_278 : vector<2048x128xf32>
      %min3A_280 = arith.minimumf %min3A_257, %add3A_279 : vector<2048x128xf32>
      %mul3A_281 = arith.constant 16 : i32
      %mul3A_282 = arith.muli %mul3A_99, %mul3A_281 : i32
      %add3A_283 = arith.constant 8 : i32
      %add3A_284 = arith.addi %mul3A_282, %add3A_283 : i32
      %mul3A_285 = arith.constant 128 : i32
      %mul3A_286 = arith.muli %add3A_284, %mul3A_285 : i32
      %multiple_of3A_287 = tpu.assume_multiple %mul3A_286, 128 : i32
      %get3A_288 = arith.constant 0 : index
      %get3A_289 = arith.index_cast %multiple_of3A_287 : i32 to index
      %get3A_290 = vector.load %arg2[%get3A_288, %get3A_289] : memref<1x102400xf32, #tpu.memory_space<vmem>>, vector<1x128xf32>
      %get3A_291 = arith.constant 0 : index
      %get3A_292 = arith.index_cast %multiple_of3A_287 : i32 to index
      %get3A_293 = vector.load %arg3[%get3A_291, %get3A_292] : memref<1x102400xf32, #tpu.memory_space<vmem>>, vector<1x128xf32>
      %sub3A_294 = vector.broadcast %get3A_1 : vector<2048x1xf32> to vector<2048x128xf32>
      %sub3A_295 = vector.broadcast %get3A_290 : vector<1x128xf32> to vector<2048x128xf32>
      %sub3A_296 = arith.subf %sub3A_294, %sub3A_295 : vector<2048x128xf32>
      %sub3A_297 = vector.broadcast %get3A_4 : vector<2048x1xf32> to vector<2048x128xf32>
      %sub3A_298 = vector.broadcast %get3A_293 : vector<1x128xf32> to vector<2048x128xf32>
      %sub3A_299 = arith.subf %sub3A_297, %sub3A_298 : vector<2048x128xf32>
      %mul3A_300 = arith.mulf %sub3A_296, %sub3A_296 : vector<2048x128xf32>
      %mul3A_301 = arith.mulf %sub3A_299, %sub3A_299 : vector<2048x128xf32>
      %add3A_302 = arith.addf %mul3A_300, %mul3A_301 : vector<2048x128xf32>
      %min3A_303 = arith.minimumf %min3A_280, %add3A_302 : vector<2048x128xf32>
      %mul3A_304 = arith.constant 16 : i32
      %mul3A_305 = arith.muli %mul3A_99, %mul3A_304 : i32
      %add3A_306 = arith.constant 9 : i32
      %add3A_307 = arith.addi %mul3A_305, %add3A_306 : i32
      %mul3A_308 = arith.constant 128 : i32
      %mul3A_309 = arith.muli %add3A_307, %mul3A_308 : i32
      %multiple_of3A_310 = tpu.assume_multiple %mul3A_309, 128 : i32
      %get3A_311 = arith.constant 0 : index
      %get3A_312 = arith.index_cast %multiple_of3A_310 : i32 to index
      %get3A_313 = vector.load %arg2[%get3A_311, %get3A_312] : memref<1x102400xf32, #tpu.memory_space<vmem>>, vector<1x128xf32>
      %get3A_314 = arith.constant 0 : index
      %get3A_315 = arith.index_cast %multiple_of3A_310 : i32 to index
      %get3A_316 = vector.load %arg3[%get3A_314, %get3A_315] : memref<1x102400xf32, #tpu.memory_space<vmem>>, vector<1x128xf32>
      %sub3A_317 = vector.broadcast %get3A_1 : vector<2048x1xf32> to vector<2048x128xf32>
      %sub3A_318 = vector.broadcast %get3A_313 : vector<1x128xf32> to vector<2048x128xf32>
      %sub3A_319 = arith.subf %sub3A_317, %sub3A_318 : vector<2048x128xf32>
      %sub3A_320 = vector.broadcast %get3A_4 : vector<2048x1xf32> to vector<2048x128xf32>
      %sub3A_321 = vector.broadcast %get3A_316 : vector<1x128xf32> to vector<2048x128xf32>
      %sub3A_322 = arith.subf %sub3A_320, %sub3A_321 : vector<2048x128xf32>
      %mul3A_323 = arith.mulf %sub3A_319, %sub3A_319 : vector<2048x128xf32>
      %mul3A_324 = arith.mulf %sub3A_322, %sub3A_322 : vector<2048x128xf32>
      %add3A_325 = arith.addf %mul3A_323, %mul3A_324 : vector<2048x128xf32>
      %min3A_326 = arith.minimumf %min3A_303, %add3A_325 : vector<2048x128xf32>
      %mul3A_327 = arith.constant 16 : i32
      %mul3A_328 = arith.muli %mul3A_99, %mul3A_327 : i32
      %add3A_329 = arith.constant 10 : i32
      %add3A_330 = arith.addi %mul3A_328, %add3A_329 : i32
      %mul3A_331 = arith.constant 128 : i32
      %mul3A_332 = arith.muli %add3A_330, %mul3A_331 : i32
      %multiple_of3A_333 = tpu.assume_multiple %mul3A_332, 128 : i32
      %get3A_334 = arith.constant 0 : index
      %get3A_335 = arith.index_cast %multiple_of3A_333 : i32 to index
      %get3A_336 = vector.load %arg2[%get3A_334, %get3A_335] : memref<1x102400xf32, #tpu.memory_space<vmem>>, vector<1x128xf32>
      %get3A_337 = arith.constant 0 : index
      %get3A_338 = arith.index_cast %multiple_of3A_333 : i32 to index
      %get3A_339 = vector.load %arg3[%get3A_337, %get3A_338] : memref<1x102400xf32, #tpu.memory_space<vmem>>, vector<1x128xf32>
      %sub3A_340 = vector.broadcast %get3A_1 : vector<2048x1xf32> to vector<2048x128xf32>
      %sub3A_341 = vector.broadcast %get3A_336 : vector<1x128xf32> to vector<2048x128xf32>
      %sub3A_342 = arith.subf %sub3A_340, %sub3A_341 : vector<2048x128xf32>
      %sub3A_343 = vector.broadcast %get3A_4 : vector<2048x1xf32> to vector<2048x128xf32>
      %sub3A_344 = vector.broadcast %get3A_339 : vector<1x128xf32> to vector<2048x128xf32>
      %sub3A_345 = arith.subf %sub3A_343, %sub3A_344 : vector<2048x128xf32>
      %mul3A_346 = arith.mulf %sub3A_342, %sub3A_342 : vector<2048x128xf32>
      %mul3A_347 = arith.mulf %sub3A_345, %sub3A_345 : vector<2048x128xf32>
      %add3A_348 = arith.addf %mul3A_346, %mul3A_347 : vector<2048x128xf32>
      %min3A_349 = arith.minimumf %min3A_326, %add3A_348 : vector<2048x128xf32>
      %mul3A_350 = arith.constant 16 : i32
      %mul3A_351 = arith.muli %mul3A_99, %mul3A_350 : i32
      %add3A_352 = arith.constant 11 : i32
      %add3A_353 = arith.addi %mul3A_351, %add3A_352 : i32
      %mul3A_354 = arith.constant 128 : i32
      %mul3A_355 = arith.muli %add3A_353, %mul3A_354 : i32
      %multiple_of3A_356 = tpu.assume_multiple %mul3A_355, 128 : i32
      %get3A_357 = arith.constant 0 : index
      %get3A_358 = arith.index_cast %multiple_of3A_356 : i32 to index
      %get3A_359 = vector.load %arg2[%get3A_357, %get3A_358] : memref<1x102400xf32, #tpu.memory_space<vmem>>, vector<1x128xf32>
      %get3A_360 = arith.constant 0 : index
      %get3A_361 = arith.index_cast %multiple_of3A_356 : i32 to index
      %get3A_362 = vector.load %arg3[%get3A_360, %get3A_361] : memref<1x102400xf32, #tpu.memory_space<vmem>>, vector<1x128xf32>
      %sub3A_363 = vector.broadcast %get3A_1 : vector<2048x1xf32> to vector<2048x128xf32>
      %sub3A_364 = vector.broadcast %get3A_359 : vector<1x128xf32> to vector<2048x128xf32>
      %sub3A_365 = arith.subf %sub3A_363, %sub3A_364 : vector<2048x128xf32>
      %sub3A_366 = vector.broadcast %get3A_4 : vector<2048x1xf32> to vector<2048x128xf32>
      %sub3A_367 = vector.broadcast %get3A_362 : vector<1x128xf32> to vector<2048x128xf32>
      %sub3A_368 = arith.subf %sub3A_366, %sub3A_367 : vector<2048x128xf32>
      %mul3A_369 = arith.mulf %sub3A_365, %sub3A_365 : vector<2048x128xf32>
      %mul3A_370 = arith.mulf %sub3A_368, %sub3A_368 : vector<2048x128xf32>
      %add3A_371 = arith.addf %mul3A_369, %mul3A_370 : vector<2048x128xf32>
      %min3A_372 = arith.minimumf %min3A_349, %add3A_371 : vector<2048x128xf32>
      %mul3A_373 = arith.constant 16 : i32
      %mul3A_374 = arith.muli %mul3A_99, %mul3A_373 : i32
      %add3A_375 = arith.constant 12 : i32
      %add3A_376 = arith.addi %mul3A_374, %add3A_375 : i32
      %mul3A_377 = arith.constant 128 : i32
      %mul3A_378 = arith.muli %add3A_376, %mul3A_377 : i32
      %multiple_of3A_379 = tpu.assume_multiple %mul3A_378, 128 : i32
      %get3A_380 = arith.constant 0 : index
      %get3A_381 = arith.index_cast %multiple_of3A_379 : i32 to index
      %get3A_382 = vector.load %arg2[%get3A_380, %get3A_381] : memref<1x102400xf32, #tpu.memory_space<vmem>>, vector<1x128xf32>
      %get3A_383 = arith.constant 0 : index
      %get3A_384 = arith.index_cast %multiple_of3A_379 : i32 to index
      %get3A_385 = vector.load %arg3[%get3A_383, %get3A_384] : memref<1x102400xf32, #tpu.memory_space<vmem>>, vector<1x128xf32>
      %sub3A_386 = vector.broadcast %get3A_1 : vector<2048x1xf32> to vector<2048x128xf32>
      %sub3A_387 = vector.broadcast %get3A_382 : vector<1x128xf32> to vector<2048x128xf32>
      %sub3A_388 = arith.subf %sub3A_386, %sub3A_387 : vector<2048x128xf32>
      %sub3A_389 = vector.broadcast %get3A_4 : vector<2048x1xf32> to vector<2048x128xf32>
      %sub3A_390 = vector.broadcast %get3A_385 : vector<1x128xf32> to vector<2048x128xf32>
      %sub3A_391 = arith.subf %sub3A_389, %sub3A_390 : vector<2048x128xf32>
      %mul3A_392 = arith.mulf %sub3A_388, %sub3A_388 : vector<2048x128xf32>
      %mul3A_393 = arith.mulf %sub3A_391, %sub3A_391 : vector<2048x128xf32>
      %add3A_394 = arith.addf %mul3A_392, %mul3A_393 : vector<2048x128xf32>
      %min3A_395 = arith.minimumf %min3A_372, %add3A_394 : vector<2048x128xf32>
      %mul3A_396 = arith.constant 16 : i32
      %mul3A_397 = arith.muli %mul3A_99, %mul3A_396 : i32
      %add3A_398 = arith.constant 13 : i32
      %add3A_399 = arith.addi %mul3A_397, %add3A_398 : i32
      %mul3A_400 = arith.constant 128 : i32
      %mul3A_401 = arith.muli %add3A_399, %mul3A_400 : i32
      %multiple_of3A_402 = tpu.assume_multiple %mul3A_401, 128 : i32
      %get3A_403 = arith.constant 0 : index
      %get3A_404 = arith.index_cast %multiple_of3A_402 : i32 to index
      %get3A_405 = vector.load %arg2[%get3A_403, %get3A_404] : memref<1x102400xf32, #tpu.memory_space<vmem>>, vector<1x128xf32>
      %get3A_406 = arith.constant 0 : index
      %get3A_407 = arith.index_cast %multiple_of3A_402 : i32 to index
      %get3A_408 = vector.load %arg3[%get3A_406, %get3A_407] : memref<1x102400xf32, #tpu.memory_space<vmem>>, vector<1x128xf32>
      %sub3A_409 = vector.broadcast %get3A_1 : vector<2048x1xf32> to vector<2048x128xf32>
      %sub3A_410 = vector.broadcast %get3A_405 : vector<1x128xf32> to vector<2048x128xf32>
      %sub3A_411 = arith.subf %sub3A_409, %sub3A_410 : vector<2048x128xf32>
      %sub3A_412 = vector.broadcast %get3A_4 : vector<2048x1xf32> to vector<2048x128xf32>
      %sub3A_413 = vector.broadcast %get3A_408 : vector<1x128xf32> to vector<2048x128xf32>
      %sub3A_414 = arith.subf %sub3A_412, %sub3A_413 : vector<2048x128xf32>
      %mul3A_415 = arith.mulf %sub3A_411, %sub3A_411 : vector<2048x128xf32>
      %mul3A_416 = arith.mulf %sub3A_414, %sub3A_414 : vector<2048x128xf32>
      %add3A_417 = arith.addf %mul3A_415, %mul3A_416 : vector<2048x128xf32>
      %min3A_418 = arith.minimumf %min3A_395, %add3A_417 : vector<2048x128xf32>
      %mul3A_419 = arith.constant 16 : i32
      %mul3A_420 = arith.muli %mul3A_99, %mul3A_419 : i32
      %add3A_421 = arith.constant 14 : i32
      %add3A_422 = arith.addi %mul3A_420, %add3A_421 : i32
      %mul3A_423 = arith.constant 128 : i32
      %mul3A_424 = arith.muli %add3A_422, %mul3A_423 : i32
      %multiple_of3A_425 = tpu.assume_multiple %mul3A_424, 128 : i32
      %get3A_426 = arith.constant 0 : index
      %get3A_427 = arith.index_cast %multiple_of3A_425 : i32 to index
      %get3A_428 = vector.load %arg2[%get3A_426, %get3A_427] : memref<1x102400xf32, #tpu.memory_space<vmem>>, vector<1x128xf32>
      %get3A_429 = arith.constant 0 : index
      %get3A_430 = arith.index_cast %multiple_of3A_425 : i32 to index
      %get3A_431 = vector.load %arg3[%get3A_429, %get3A_430] : memref<1x102400xf32, #tpu.memory_space<vmem>>, vector<1x128xf32>
      %sub3A_432 = vector.broadcast %get3A_1 : vector<2048x1xf32> to vector<2048x128xf32>
      %sub3A_433 = vector.broadcast %get3A_428 : vector<1x128xf32> to vector<2048x128xf32>
      %sub3A_434 = arith.subf %sub3A_432, %sub3A_433 : vector<2048x128xf32>
      %sub3A_435 = vector.broadcast %get3A_4 : vector<2048x1xf32> to vector<2048x128xf32>
      %sub3A_436 = vector.broadcast %get3A_431 : vector<1x128xf32> to vector<2048x128xf32>
      %sub3A_437 = arith.subf %sub3A_435, %sub3A_436 : vector<2048x128xf32>
      %mul3A_438 = arith.mulf %sub3A_434, %sub3A_434 : vector<2048x128xf32>
      %mul3A_439 = arith.mulf %sub3A_437, %sub3A_437 : vector<2048x128xf32>
      %add3A_440 = arith.addf %mul3A_438, %mul3A_439 : vector<2048x128xf32>
      %min3A_441 = arith.minimumf %min3A_418, %add3A_440 : vector<2048x128xf32>
      %mul3A_442 = arith.constant 16 : i32
      %mul3A_443 = arith.muli %mul3A_99, %mul3A_442 : i32
      %add3A_444 = arith.constant 15 : i32
      %add3A_445 = arith.addi %mul3A_443, %add3A_444 : i32
      %mul3A_446 = arith.constant 128 : i32
      %mul3A_447 = arith.muli %add3A_445, %mul3A_446 : i32
      %multiple_of3A_448 = tpu.assume_multiple %mul3A_447, 128 : i32
      %get3A_449 = arith.constant 0 : index
      %get3A_450 = arith.index_cast %multiple_of3A_448 : i32 to index
      %get3A_451 = vector.load %arg2[%get3A_449, %get3A_450] : memref<1x102400xf32, #tpu.memory_space<vmem>>, vector<1x128xf32>
      %get3A_452 = arith.constant 0 : index
      %get3A_453 = arith.index_cast %multiple_of3A_448 : i32 to index
      %get3A_454 = vector.load %arg3[%get3A_452, %get3A_453] : memref<1x102400xf32, #tpu.memory_space<vmem>>, vector<1x128xf32>
      %sub3A_455 = vector.broadcast %get3A_1 : vector<2048x1xf32> to vector<2048x128xf32>
      %sub3A_456 = vector.broadcast %get3A_451 : vector<1x128xf32> to vector<2048x128xf32>
      %sub3A_457 = arith.subf %sub3A_455, %sub3A_456 : vector<2048x128xf32>
      %sub3A_458 = vector.broadcast %get3A_4 : vector<2048x1xf32> to vector<2048x128xf32>
      %sub3A_459 = vector.broadcast %get3A_454 : vector<1x128xf32> to vector<2048x128xf32>
      %sub3A_460 = arith.subf %sub3A_458, %sub3A_459 : vector<2048x128xf32>
      %mul3A_461 = arith.mulf %sub3A_457, %sub3A_457 : vector<2048x128xf32>
      %mul3A_462 = arith.mulf %sub3A_460, %sub3A_460 : vector<2048x128xf32>
      %add3A_463 = arith.addf %mul3A_461, %mul3A_462 : vector<2048x128xf32>
      %min3A_464 = arith.minimumf %min3A_441, %add3A_463 : vector<2048x128xf32>
      %lt3A_465 = arith.cmpf olt, %min3A_464, %scan3A_96 : vector<2048x128xf32>
      %convert_element_type3A_466 = arith.sitofp %mul3A_99 : i32 to f32
      %select_n3A_467 = arith.select %lt3A_465, %min3A_464, %scan3A_96 : vector<2048x128xi1>, vector<2048x128xf32>
      %broadcast_in_dim3A_468 = vector.broadcast %convert_element_type3A_466 : f32 to vector<2048x128xf32>
      %select_n3A_469 = arith.select %lt3A_465, %broadcast_in_dim3A_468, %scan3A_97 : vector<2048x128xi1>, vector<2048x128xf32>
      %mul3A_470 = arith.constant 2 : i32
      %mul3A_471 = arith.muli %scan3A_95, %mul3A_470 : i32
      %add3A_472 = arith.constant 1 : i32
      %add3A_473 = arith.addi %mul3A_471, %add3A_472 : i32
      %mul3A_474 = arith.constant 16 : i32
      %mul3A_475 = arith.muli %add3A_473, %mul3A_474 : i32
      %add3A_476 = arith.constant 0 : i32
      %add3A_477 = arith.addi %mul3A_475, %add3A_476 : i32
      %mul3A_478 = arith.constant 128 : i32
      %mul3A_479 = arith.muli %add3A_477, %mul3A_478 : i32
      %multiple_of3A_480 = tpu.assume_multiple %mul3A_479, 128 : i32
      %get3A_481 = arith.constant 0 : index
      %get3A_482 = arith.index_cast %multiple_of3A_480 : i32 to index
      %get3A_483 = vector.load %arg2[%get3A_481, %get3A_482] : memref<1x102400xf32, #tpu.memory_space<vmem>>, vector<1x128xf32>
      %get3A_484 = arith.constant 0 : index
      %get3A_485 = arith.index_cast %multiple_of3A_480 : i32 to index
      %get3A_486 = vector.load %arg3[%get3A_484, %get3A_485] : memref<1x102400xf32, #tpu.memory_space<vmem>>, vector<1x128xf32>
      %sub3A_487 = vector.broadcast %get3A_1 : vector<2048x1xf32> to vector<2048x128xf32>
      %sub3A_488 = vector.broadcast %get3A_483 : vector<1x128xf32> to vector<2048x128xf32>
      %sub3A_489 = arith.subf %sub3A_487, %sub3A_488 : vector<2048x128xf32>
      %sub3A_490 = vector.broadcast %get3A_4 : vector<2048x1xf32> to vector<2048x128xf32>
      %sub3A_491 = vector.broadcast %get3A_486 : vector<1x128xf32> to vector<2048x128xf32>
      %sub3A_492 = arith.subf %sub3A_490, %sub3A_491 : vector<2048x128xf32>
      %mul3A_493 = arith.mulf %sub3A_489, %sub3A_489 : vector<2048x128xf32>
      %mul3A_494 = arith.mulf %sub3A_492, %sub3A_492 : vector<2048x128xf32>
      %add3A_495 = arith.addf %mul3A_493, %mul3A_494 : vector<2048x128xf32>
      %mul3A_496 = arith.constant 16 : i32
      %mul3A_497 = arith.muli %add3A_473, %mul3A_496 : i32
      %add3A_498 = arith.constant 1 : i32
      %add3A_499 = arith.addi %mul3A_497, %add3A_498 : i32
      %mul3A_500 = arith.constant 128 : i32
      %mul3A_501 = arith.muli %add3A_499, %mul3A_500 : i32
      %multiple_of3A_502 = tpu.assume_multiple %mul3A_501, 128 : i32
      %get3A_503 = arith.constant 0 : index
      %get3A_504 = arith.index_cast %multiple_of3A_502 : i32 to index
      %get3A_505 = vector.load %arg2[%get3A_503, %get3A_504] : memref<1x102400xf32, #tpu.memory_space<vmem>>, vector<1x128xf32>
      %get3A_506 = arith.constant 0 : index
      %get3A_507 = arith.index_cast %multiple_of3A_502 : i32 to index
      %get3A_508 = vector.load %arg3[%get3A_506, %get3A_507] : memref<1x102400xf32, #tpu.memory_space<vmem>>, vector<1x128xf32>
      %sub3A_509 = vector.broadcast %get3A_1 : vector<2048x1xf32> to vector<2048x128xf32>
      %sub3A_510 = vector.broadcast %get3A_505 : vector<1x128xf32> to vector<2048x128xf32>
      %sub3A_511 = arith.subf %sub3A_509, %sub3A_510 : vector<2048x128xf32>
      %sub3A_512 = vector.broadcast %get3A_4 : vector<2048x1xf32> to vector<2048x128xf32>
      %sub3A_513 = vector.broadcast %get3A_508 : vector<1x128xf32> to vector<2048x128xf32>
      %sub3A_514 = arith.subf %sub3A_512, %sub3A_513 : vector<2048x128xf32>
      %mul3A_515 = arith.mulf %sub3A_511, %sub3A_511 : vector<2048x128xf32>
      %mul3A_516 = arith.mulf %sub3A_514, %sub3A_514 : vector<2048x128xf32>
      %add3A_517 = arith.addf %mul3A_515, %mul3A_516 : vector<2048x128xf32>
      %min3A_518 = arith.minimumf %add3A_495, %add3A_517 : vector<2048x128xf32>
      %mul3A_519 = arith.constant 16 : i32
      %mul3A_520 = arith.muli %add3A_473, %mul3A_519 : i32
      %add3A_521 = arith.constant 2 : i32
      %add3A_522 = arith.addi %mul3A_520, %add3A_521 : i32
      %mul3A_523 = arith.constant 128 : i32
      %mul3A_524 = arith.muli %add3A_522, %mul3A_523 : i32
      %multiple_of3A_525 = tpu.assume_multiple %mul3A_524, 128 : i32
      %get3A_526 = arith.constant 0 : index
      %get3A_527 = arith.index_cast %multiple_of3A_525 : i32 to index
      %get3A_528 = vector.load %arg2[%get3A_526, %get3A_527] : memref<1x102400xf32, #tpu.memory_space<vmem>>, vector<1x128xf32>
      %get3A_529 = arith.constant 0 : index
      %get3A_530 = arith.index_cast %multiple_of3A_525 : i32 to index
      %get3A_531 = vector.load %arg3[%get3A_529, %get3A_530] : memref<1x102400xf32, #tpu.memory_space<vmem>>, vector<1x128xf32>
      %sub3A_532 = vector.broadcast %get3A_1 : vector<2048x1xf32> to vector<2048x128xf32>
      %sub3A_533 = vector.broadcast %get3A_528 : vector<1x128xf32> to vector<2048x128xf32>
      %sub3A_534 = arith.subf %sub3A_532, %sub3A_533 : vector<2048x128xf32>
      %sub3A_535 = vector.broadcast %get3A_4 : vector<2048x1xf32> to vector<2048x128xf32>
      %sub3A_536 = vector.broadcast %get3A_531 : vector<1x128xf32> to vector<2048x128xf32>
      %sub3A_537 = arith.subf %sub3A_535, %sub3A_536 : vector<2048x128xf32>
      %mul3A_538 = arith.mulf %sub3A_534, %sub3A_534 : vector<2048x128xf32>
      %mul3A_539 = arith.mulf %sub3A_537, %sub3A_537 : vector<2048x128xf32>
      %add3A_540 = arith.addf %mul3A_538, %mul3A_539 : vector<2048x128xf32>
      %min3A_541 = arith.minimumf %min3A_518, %add3A_540 : vector<2048x128xf32>
      %mul3A_542 = arith.constant 16 : i32
      %mul3A_543 = arith.muli %add3A_473, %mul3A_542 : i32
      %add3A_544 = arith.constant 3 : i32
      %add3A_545 = arith.addi %mul3A_543, %add3A_544 : i32
      %mul3A_546 = arith.constant 128 : i32
      %mul3A_547 = arith.muli %add3A_545, %mul3A_546 : i32
      %multiple_of3A_548 = tpu.assume_multiple %mul3A_547, 128 : i32
      %get3A_549 = arith.constant 0 : index
      %get3A_550 = arith.index_cast %multiple_of3A_548 : i32 to index
      %get3A_551 = vector.load %arg2[%get3A_549, %get3A_550] : memref<1x102400xf32, #tpu.memory_space<vmem>>, vector<1x128xf32>
      %get3A_552 = arith.constant 0 : index
      %get3A_553 = arith.index_cast %multiple_of3A_548 : i32 to index
      %get3A_554 = vector.load %arg3[%get3A_552, %get3A_553] : memref<1x102400xf32, #tpu.memory_space<vmem>>, vector<1x128xf32>
      %sub3A_555 = vector.broadcast %get3A_1 : vector<2048x1xf32> to vector<2048x128xf32>
      %sub3A_556 = vector.broadcast %get3A_551 : vector<1x128xf32> to vector<2048x128xf32>
      %sub3A_557 = arith.subf %sub3A_555, %sub3A_556 : vector<2048x128xf32>
      %sub3A_558 = vector.broadcast %get3A_4 : vector<2048x1xf32> to vector<2048x128xf32>
      %sub3A_559 = vector.broadcast %get3A_554 : vector<1x128xf32> to vector<2048x128xf32>
      %sub3A_560 = arith.subf %sub3A_558, %sub3A_559 : vector<2048x128xf32>
      %mul3A_561 = arith.mulf %sub3A_557, %sub3A_557 : vector<2048x128xf32>
      %mul3A_562 = arith.mulf %sub3A_560, %sub3A_560 : vector<2048x128xf32>
      %add3A_563 = arith.addf %mul3A_561, %mul3A_562 : vector<2048x128xf32>
      %min3A_564 = arith.minimumf %min3A_541, %add3A_563 : vector<2048x128xf32>
      %mul3A_565 = arith.constant 16 : i32
      %mul3A_566 = arith.muli %add3A_473, %mul3A_565 : i32
      %add3A_567 = arith.constant 4 : i32
      %add3A_568 = arith.addi %mul3A_566, %add3A_567 : i32
      %mul3A_569 = arith.constant 128 : i32
      %mul3A_570 = arith.muli %add3A_568, %mul3A_569 : i32
      %multiple_of3A_571 = tpu.assume_multiple %mul3A_570, 128 : i32
      %get3A_572 = arith.constant 0 : index
      %get3A_573 = arith.index_cast %multiple_of3A_571 : i32 to index
      %get3A_574 = vector.load %arg2[%get3A_572, %get3A_573] : memref<1x102400xf32, #tpu.memory_space<vmem>>, vector<1x128xf32>
      %get3A_575 = arith.constant 0 : index
      %get3A_576 = arith.index_cast %multiple_of3A_571 : i32 to index
      %get3A_577 = vector.load %arg3[%get3A_575, %get3A_576] : memref<1x102400xf32, #tpu.memory_space<vmem>>, vector<1x128xf32>
      %sub3A_578 = vector.broadcast %get3A_1 : vector<2048x1xf32> to vector<2048x128xf32>
      %sub3A_579 = vector.broadcast %get3A_574 : vector<1x128xf32> to vector<2048x128xf32>
      %sub3A_580 = arith.subf %sub3A_578, %sub3A_579 : vector<2048x128xf32>
      %sub3A_581 = vector.broadcast %get3A_4 : vector<2048x1xf32> to vector<2048x128xf32>
      %sub3A_582 = vector.broadcast %get3A_577 : vector<1x128xf32> to vector<2048x128xf32>
      %sub3A_583 = arith.subf %sub3A_581, %sub3A_582 : vector<2048x128xf32>
      %mul3A_584 = arith.mulf %sub3A_580, %sub3A_580 : vector<2048x128xf32>
      %mul3A_585 = arith.mulf %sub3A_583, %sub3A_583 : vector<2048x128xf32>
      %add3A_586 = arith.addf %mul3A_584, %mul3A_585 : vector<2048x128xf32>
      %min3A_587 = arith.minimumf %min3A_564, %add3A_586 : vector<2048x128xf32>
      %mul3A_588 = arith.constant 16 : i32
      %mul3A_589 = arith.muli %add3A_473, %mul3A_588 : i32
      %add3A_590 = arith.constant 5 : i32
      %add3A_591 = arith.addi %mul3A_589, %add3A_590 : i32
      %mul3A_592 = arith.constant 128 : i32
      %mul3A_593 = arith.muli %add3A_591, %mul3A_592 : i32
      %multiple_of3A_594 = tpu.assume_multiple %mul3A_593, 128 : i32
      %get3A_595 = arith.constant 0 : index
      %get3A_596 = arith.index_cast %multiple_of3A_594 : i32 to index
      %get3A_597 = vector.load %arg2[%get3A_595, %get3A_596] : memref<1x102400xf32, #tpu.memory_space<vmem>>, vector<1x128xf32>
      %get3A_598 = arith.constant 0 : index
      %get3A_599 = arith.index_cast %multiple_of3A_594 : i32 to index
      %get3A_600 = vector.load %arg3[%get3A_598, %get3A_599] : memref<1x102400xf32, #tpu.memory_space<vmem>>, vector<1x128xf32>
      %sub3A_601 = vector.broadcast %get3A_1 : vector<2048x1xf32> to vector<2048x128xf32>
      %sub3A_602 = vector.broadcast %get3A_597 : vector<1x128xf32> to vector<2048x128xf32>
      %sub3A_603 = arith.subf %sub3A_601, %sub3A_602 : vector<2048x128xf32>
      %sub3A_604 = vector.broadcast %get3A_4 : vector<2048x1xf32> to vector<2048x128xf32>
      %sub3A_605 = vector.broadcast %get3A_600 : vector<1x128xf32> to vector<2048x128xf32>
      %sub3A_606 = arith.subf %sub3A_604, %sub3A_605 : vector<2048x128xf32>
      %mul3A_607 = arith.mulf %sub3A_603, %sub3A_603 : vector<2048x128xf32>
      %mul3A_608 = arith.mulf %sub3A_606, %sub3A_606 : vector<2048x128xf32>
      %add3A_609 = arith.addf %mul3A_607, %mul3A_608 : vector<2048x128xf32>
      %min3A_610 = arith.minimumf %min3A_587, %add3A_609 : vector<2048x128xf32>
      %mul3A_611 = arith.constant 16 : i32
      %mul3A_612 = arith.muli %add3A_473, %mul3A_611 : i32
      %add3A_613 = arith.constant 6 : i32
      %add3A_614 = arith.addi %mul3A_612, %add3A_613 : i32
      %mul3A_615 = arith.constant 128 : i32
      %mul3A_616 = arith.muli %add3A_614, %mul3A_615 : i32
      %multiple_of3A_617 = tpu.assume_multiple %mul3A_616, 128 : i32
      %get3A_618 = arith.constant 0 : index
      %get3A_619 = arith.index_cast %multiple_of3A_617 : i32 to index
      %get3A_620 = vector.load %arg2[%get3A_618, %get3A_619] : memref<1x102400xf32, #tpu.memory_space<vmem>>, vector<1x128xf32>
      %get3A_621 = arith.constant 0 : index
      %get3A_622 = arith.index_cast %multiple_of3A_617 : i32 to index
      %get3A_623 = vector.load %arg3[%get3A_621, %get3A_622] : memref<1x102400xf32, #tpu.memory_space<vmem>>, vector<1x128xf32>
      %sub3A_624 = vector.broadcast %get3A_1 : vector<2048x1xf32> to vector<2048x128xf32>
      %sub3A_625 = vector.broadcast %get3A_620 : vector<1x128xf32> to vector<2048x128xf32>
      %sub3A_626 = arith.subf %sub3A_624, %sub3A_625 : vector<2048x128xf32>
      %sub3A_627 = vector.broadcast %get3A_4 : vector<2048x1xf32> to vector<2048x128xf32>
      %sub3A_628 = vector.broadcast %get3A_623 : vector<1x128xf32> to vector<2048x128xf32>
      %sub3A_629 = arith.subf %sub3A_627, %sub3A_628 : vector<2048x128xf32>
      %mul3A_630 = arith.mulf %sub3A_626, %sub3A_626 : vector<2048x128xf32>
      %mul3A_631 = arith.mulf %sub3A_629, %sub3A_629 : vector<2048x128xf32>
      %add3A_632 = arith.addf %mul3A_630, %mul3A_631 : vector<2048x128xf32>
      %min3A_633 = arith.minimumf %min3A_610, %add3A_632 : vector<2048x128xf32>
      %mul3A_634 = arith.constant 16 : i32
      %mul3A_635 = arith.muli %add3A_473, %mul3A_634 : i32
      %add3A_636 = arith.constant 7 : i32
      %add3A_637 = arith.addi %mul3A_635, %add3A_636 : i32
      %mul3A_638 = arith.constant 128 : i32
      %mul3A_639 = arith.muli %add3A_637, %mul3A_638 : i32
      %multiple_of3A_640 = tpu.assume_multiple %mul3A_639, 128 : i32
      %get3A_641 = arith.constant 0 : index
      %get3A_642 = arith.index_cast %multiple_of3A_640 : i32 to index
      %get3A_643 = vector.load %arg2[%get3A_641, %get3A_642] : memref<1x102400xf32, #tpu.memory_space<vmem>>, vector<1x128xf32>
      %get3A_644 = arith.constant 0 : index
      %get3A_645 = arith.index_cast %multiple_of3A_640 : i32 to index
      %get3A_646 = vector.load %arg3[%get3A_644, %get3A_645] : memref<1x102400xf32, #tpu.memory_space<vmem>>, vector<1x128xf32>
      %sub3A_647 = vector.broadcast %get3A_1 : vector<2048x1xf32> to vector<2048x128xf32>
      %sub3A_648 = vector.broadcast %get3A_643 : vector<1x128xf32> to vector<2048x128xf32>
      %sub3A_649 = arith.subf %sub3A_647, %sub3A_648 : vector<2048x128xf32>
      %sub3A_650 = vector.broadcast %get3A_4 : vector<2048x1xf32> to vector<2048x128xf32>
      %sub3A_651 = vector.broadcast %get3A_646 : vector<1x128xf32> to vector<2048x128xf32>
      %sub3A_652 = arith.subf %sub3A_650, %sub3A_651 : vector<2048x128xf32>
      %mul3A_653 = arith.mulf %sub3A_649, %sub3A_649 : vector<2048x128xf32>
      %mul3A_654 = arith.mulf %sub3A_652, %sub3A_652 : vector<2048x128xf32>
      %add3A_655 = arith.addf %mul3A_653, %mul3A_654 : vector<2048x128xf32>
      %min3A_656 = arith.minimumf %min3A_633, %add3A_655 : vector<2048x128xf32>
      %mul3A_657 = arith.constant 16 : i32
      %mul3A_658 = arith.muli %add3A_473, %mul3A_657 : i32
      %add3A_659 = arith.constant 8 : i32
      %add3A_660 = arith.addi %mul3A_658, %add3A_659 : i32
      %mul3A_661 = arith.constant 128 : i32
      %mul3A_662 = arith.muli %add3A_660, %mul3A_661 : i32
      %multiple_of3A_663 = tpu.assume_multiple %mul3A_662, 128 : i32
      %get3A_664 = arith.constant 0 : index
      %get3A_665 = arith.index_cast %multiple_of3A_663 : i32 to index
      %get3A_666 = vector.load %arg2[%get3A_664, %get3A_665] : memref<1x102400xf32, #tpu.memory_space<vmem>>, vector<1x128xf32>
      %get3A_667 = arith.constant 0 : index
      %get3A_668 = arith.index_cast %multiple_of3A_663 : i32 to index
      %get3A_669 = vector.load %arg3[%get3A_667, %get3A_668] : memref<1x102400xf32, #tpu.memory_space<vmem>>, vector<1x128xf32>
      %sub3A_670 = vector.broadcast %get3A_1 : vector<2048x1xf32> to vector<2048x128xf32>
      %sub3A_671 = vector.broadcast %get3A_666 : vector<1x128xf32> to vector<2048x128xf32>
      %sub3A_672 = arith.subf %sub3A_670, %sub3A_671 : vector<2048x128xf32>
      %sub3A_673 = vector.broadcast %get3A_4 : vector<2048x1xf32> to vector<2048x128xf32>
      %sub3A_674 = vector.broadcast %get3A_669 : vector<1x128xf32> to vector<2048x128xf32>
      %sub3A_675 = arith.subf %sub3A_673, %sub3A_674 : vector<2048x128xf32>
      %mul3A_676 = arith.mulf %sub3A_672, %sub3A_672 : vector<2048x128xf32>
      %mul3A_677 = arith.mulf %sub3A_675, %sub3A_675 : vector<2048x128xf32>
      %add3A_678 = arith.addf %mul3A_676, %mul3A_677 : vector<2048x128xf32>
      %min3A_679 = arith.minimumf %min3A_656, %add3A_678 : vector<2048x128xf32>
      %mul3A_680 = arith.constant 16 : i32
      %mul3A_681 = arith.muli %add3A_473, %mul3A_680 : i32
      %add3A_682 = arith.constant 9 : i32
      %add3A_683 = arith.addi %mul3A_681, %add3A_682 : i32
      %mul3A_684 = arith.constant 128 : i32
      %mul3A_685 = arith.muli %add3A_683, %mul3A_684 : i32
      %multiple_of3A_686 = tpu.assume_multiple %mul3A_685, 128 : i32
      %get3A_687 = arith.constant 0 : index
      %get3A_688 = arith.index_cast %multiple_of3A_686 : i32 to index
      %get3A_689 = vector.load %arg2[%get3A_687, %get3A_688] : memref<1x102400xf32, #tpu.memory_space<vmem>>, vector<1x128xf32>
      %get3A_690 = arith.constant 0 : index
      %get3A_691 = arith.index_cast %multiple_of3A_686 : i32 to index
      %get3A_692 = vector.load %arg3[%get3A_690, %get3A_691] : memref<1x102400xf32, #tpu.memory_space<vmem>>, vector<1x128xf32>
      %sub3A_693 = vector.broadcast %get3A_1 : vector<2048x1xf32> to vector<2048x128xf32>
      %sub3A_694 = vector.broadcast %get3A_689 : vector<1x128xf32> to vector<2048x128xf32>
      %sub3A_695 = arith.subf %sub3A_693, %sub3A_694 : vector<2048x128xf32>
      %sub3A_696 = vector.broadcast %get3A_4 : vector<2048x1xf32> to vector<2048x128xf32>
      %sub3A_697 = vector.broadcast %get3A_692 : vector<1x128xf32> to vector<2048x128xf32>
      %sub3A_698 = arith.subf %sub3A_696, %sub3A_697 : vector<2048x128xf32>
      %mul3A_699 = arith.mulf %sub3A_695, %sub3A_695 : vector<2048x128xf32>
      %mul3A_700 = arith.mulf %sub3A_698, %sub3A_698 : vector<2048x128xf32>
      %add3A_701 = arith.addf %mul3A_699, %mul3A_700 : vector<2048x128xf32>
      %min3A_702 = arith.minimumf %min3A_679, %add3A_701 : vector<2048x128xf32>
      %mul3A_703 = arith.constant 16 : i32
      %mul3A_704 = arith.muli %add3A_473, %mul3A_703 : i32
      %add3A_705 = arith.constant 10 : i32
      %add3A_706 = arith.addi %mul3A_704, %add3A_705 : i32
      %mul3A_707 = arith.constant 128 : i32
      %mul3A_708 = arith.muli %add3A_706, %mul3A_707 : i32
      %multiple_of3A_709 = tpu.assume_multiple %mul3A_708, 128 : i32
      %get3A_710 = arith.constant 0 : index
      %get3A_711 = arith.index_cast %multiple_of3A_709 : i32 to index
      %get3A_712 = vector.load %arg2[%get3A_710, %get3A_711] : memref<1x102400xf32, #tpu.memory_space<vmem>>, vector<1x128xf32>
      %get3A_713 = arith.constant 0 : index
      %get3A_714 = arith.index_cast %multiple_of3A_709 : i32 to index
      %get3A_715 = vector.load %arg3[%get3A_713, %get3A_714] : memref<1x102400xf32, #tpu.memory_space<vmem>>, vector<1x128xf32>
      %sub3A_716 = vector.broadcast %get3A_1 : vector<2048x1xf32> to vector<2048x128xf32>
      %sub3A_717 = vector.broadcast %get3A_712 : vector<1x128xf32> to vector<2048x128xf32>
      %sub3A_718 = arith.subf %sub3A_716, %sub3A_717 : vector<2048x128xf32>
      %sub3A_719 = vector.broadcast %get3A_4 : vector<2048x1xf32> to vector<2048x128xf32>
      %sub3A_720 = vector.broadcast %get3A_715 : vector<1x128xf32> to vector<2048x128xf32>
      %sub3A_721 = arith.subf %sub3A_719, %sub3A_720 : vector<2048x128xf32>
      %mul3A_722 = arith.mulf %sub3A_718, %sub3A_718 : vector<2048x128xf32>
      %mul3A_723 = arith.mulf %sub3A_721, %sub3A_721 : vector<2048x128xf32>
      %add3A_724 = arith.addf %mul3A_722, %mul3A_723 : vector<2048x128xf32>
      %min3A_725 = arith.minimumf %min3A_702, %add3A_724 : vector<2048x128xf32>
      %mul3A_726 = arith.constant 16 : i32
      %mul3A_727 = arith.muli %add3A_473, %mul3A_726 : i32
      %add3A_728 = arith.constant 11 : i32
      %add3A_729 = arith.addi %mul3A_727, %add3A_728 : i32
      %mul3A_730 = arith.constant 128 : i32
      %mul3A_731 = arith.muli %add3A_729, %mul3A_730 : i32
      %multiple_of3A_732 = tpu.assume_multiple %mul3A_731, 128 : i32
      %get3A_733 = arith.constant 0 : index
      %get3A_734 = arith.index_cast %multiple_of3A_732 : i32 to index
      %get3A_735 = vector.load %arg2[%get3A_733, %get3A_734] : memref<1x102400xf32, #tpu.memory_space<vmem>>, vector<1x128xf32>
      %get3A_736 = arith.constant 0 : index
      %get3A_737 = arith.index_cast %multiple_of3A_732 : i32 to index
      %get3A_738 = vector.load %arg3[%get3A_736, %get3A_737] : memref<1x102400xf32, #tpu.memory_space<vmem>>, vector<1x128xf32>
      %sub3A_739 = vector.broadcast %get3A_1 : vector<2048x1xf32> to vector<2048x128xf32>
      %sub3A_740 = vector.broadcast %get3A_735 : vector<1x128xf32> to vector<2048x128xf32>
      %sub3A_741 = arith.subf %sub3A_739, %sub3A_740 : vector<2048x128xf32>
      %sub3A_742 = vector.broadcast %get3A_4 : vector<2048x1xf32> to vector<2048x128xf32>
      %sub3A_743 = vector.broadcast %get3A_738 : vector<1x128xf32> to vector<2048x128xf32>
      %sub3A_744 = arith.subf %sub3A_742, %sub3A_743 : vector<2048x128xf32>
      %mul3A_745 = arith.mulf %sub3A_741, %sub3A_741 : vector<2048x128xf32>
      %mul3A_746 = arith.mulf %sub3A_744, %sub3A_744 : vector<2048x128xf32>
      %add3A_747 = arith.addf %mul3A_745, %mul3A_746 : vector<2048x128xf32>
      %min3A_748 = arith.minimumf %min3A_725, %add3A_747 : vector<2048x128xf32>
      %mul3A_749 = arith.constant 16 : i32
      %mul3A_750 = arith.muli %add3A_473, %mul3A_749 : i32
      %add3A_751 = arith.constant 12 : i32
      %add3A_752 = arith.addi %mul3A_750, %add3A_751 : i32
      %mul3A_753 = arith.constant 128 : i32
      %mul3A_754 = arith.muli %add3A_752, %mul3A_753 : i32
      %multiple_of3A_755 = tpu.assume_multiple %mul3A_754, 128 : i32
      %get3A_756 = arith.constant 0 : index
      %get3A_757 = arith.index_cast %multiple_of3A_755 : i32 to index
      %get3A_758 = vector.load %arg2[%get3A_756, %get3A_757] : memref<1x102400xf32, #tpu.memory_space<vmem>>, vector<1x128xf32>
      %get3A_759 = arith.constant 0 : index
      %get3A_760 = arith.index_cast %multiple_of3A_755 : i32 to index
      %get3A_761 = vector.load %arg3[%get3A_759, %get3A_760] : memref<1x102400xf32, #tpu.memory_space<vmem>>, vector<1x128xf32>
      %sub3A_762 = vector.broadcast %get3A_1 : vector<2048x1xf32> to vector<2048x128xf32>
      %sub3A_763 = vector.broadcast %get3A_758 : vector<1x128xf32> to vector<2048x128xf32>
      %sub3A_764 = arith.subf %sub3A_762, %sub3A_763 : vector<2048x128xf32>
      %sub3A_765 = vector.broadcast %get3A_4 : vector<2048x1xf32> to vector<2048x128xf32>
      %sub3A_766 = vector.broadcast %get3A_761 : vector<1x128xf32> to vector<2048x128xf32>
      %sub3A_767 = arith.subf %sub3A_765, %sub3A_766 : vector<2048x128xf32>
      %mul3A_768 = arith.mulf %sub3A_764, %sub3A_764 : vector<2048x128xf32>
      %mul3A_769 = arith.mulf %sub3A_767, %sub3A_767 : vector<2048x128xf32>
      %add3A_770 = arith.addf %mul3A_768, %mul3A_769 : vector<2048x128xf32>
      %min3A_771 = arith.minimumf %min3A_748, %add3A_770 : vector<2048x128xf32>
      %mul3A_772 = arith.constant 16 : i32
      %mul3A_773 = arith.muli %add3A_473, %mul3A_772 : i32
      %add3A_774 = arith.constant 13 : i32
      %add3A_775 = arith.addi %mul3A_773, %add3A_774 : i32
      %mul3A_776 = arith.constant 128 : i32
      %mul3A_777 = arith.muli %add3A_775, %mul3A_776 : i32
      %multiple_of3A_778 = tpu.assume_multiple %mul3A_777, 128 : i32
      %get3A_779 = arith.constant 0 : index
      %get3A_780 = arith.index_cast %multiple_of3A_778 : i32 to index
      %get3A_781 = vector.load %arg2[%get3A_779, %get3A_780] : memref<1x102400xf32, #tpu.memory_space<vmem>>, vector<1x128xf32>
      %get3A_782 = arith.constant 0 : index
      %get3A_783 = arith.index_cast %multiple_of3A_778 : i32 to index
      %get3A_784 = vector.load %arg3[%get3A_782, %get3A_783] : memref<1x102400xf32, #tpu.memory_space<vmem>>, vector<1x128xf32>
      %sub3A_785 = vector.broadcast %get3A_1 : vector<2048x1xf32> to vector<2048x128xf32>
      %sub3A_786 = vector.broadcast %get3A_781 : vector<1x128xf32> to vector<2048x128xf32>
      %sub3A_787 = arith.subf %sub3A_785, %sub3A_786 : vector<2048x128xf32>
      %sub3A_788 = vector.broadcast %get3A_4 : vector<2048x1xf32> to vector<2048x128xf32>
      %sub3A_789 = vector.broadcast %get3A_784 : vector<1x128xf32> to vector<2048x128xf32>
      %sub3A_790 = arith.subf %sub3A_788, %sub3A_789 : vector<2048x128xf32>
      %mul3A_791 = arith.mulf %sub3A_787, %sub3A_787 : vector<2048x128xf32>
      %mul3A_792 = arith.mulf %sub3A_790, %sub3A_790 : vector<2048x128xf32>
      %add3A_793 = arith.addf %mul3A_791, %mul3A_792 : vector<2048x128xf32>
      %min3A_794 = arith.minimumf %min3A_771, %add3A_793 : vector<2048x128xf32>
      %mul3A_795 = arith.constant 16 : i32
      %mul3A_796 = arith.muli %add3A_473, %mul3A_795 : i32
      %add3A_797 = arith.constant 14 : i32
      %add3A_798 = arith.addi %mul3A_796, %add3A_797 : i32
      %mul3A_799 = arith.constant 128 : i32
      %mul3A_800 = arith.muli %add3A_798, %mul3A_799 : i32
      %multiple_of3A_801 = tpu.assume_multiple %mul3A_800, 128 : i32
      %get3A_802 = arith.constant 0 : index
      %get3A_803 = arith.index_cast %multiple_of3A_801 : i32 to index
      %get3A_804 = vector.load %arg2[%get3A_802, %get3A_803] : memref<1x102400xf32, #tpu.memory_space<vmem>>, vector<1x128xf32>
      %get3A_805 = arith.constant 0 : index
      %get3A_806 = arith.index_cast %multiple_of3A_801 : i32 to index
      %get3A_807 = vector.load %arg3[%get3A_805, %get3A_806] : memref<1x102400xf32, #tpu.memory_space<vmem>>, vector<1x128xf32>
      %sub3A_808 = vector.broadcast %get3A_1 : vector<2048x1xf32> to vector<2048x128xf32>
      %sub3A_809 = vector.broadcast %get3A_804 : vector<1x128xf32> to vector<2048x128xf32>
      %sub3A_810 = arith.subf %sub3A_808, %sub3A_809 : vector<2048x128xf32>
      %sub3A_811 = vector.broadcast %get3A_4 : vector<2048x1xf32> to vector<2048x128xf32>
      %sub3A_812 = vector.broadcast %get3A_807 : vector<1x128xf32> to vector<2048x128xf32>
      %sub3A_813 = arith.subf %sub3A_811, %sub3A_812 : vector<2048x128xf32>
      %mul3A_814 = arith.mulf %sub3A_810, %sub3A_810 : vector<2048x128xf32>
      %mul3A_815 = arith.mulf %sub3A_813, %sub3A_813 : vector<2048x128xf32>
      %add3A_816 = arith.addf %mul3A_814, %mul3A_815 : vector<2048x128xf32>
      %min3A_817 = arith.minimumf %min3A_794, %add3A_816 : vector<2048x128xf32>
      %mul3A_818 = arith.constant 16 : i32
      %mul3A_819 = arith.muli %add3A_473, %mul3A_818 : i32
      %add3A_820 = arith.constant 15 : i32
      %add3A_821 = arith.addi %mul3A_819, %add3A_820 : i32
      %mul3A_822 = arith.constant 128 : i32
      %mul3A_823 = arith.muli %add3A_821, %mul3A_822 : i32
      %multiple_of3A_824 = tpu.assume_multiple %mul3A_823, 128 : i32
      %get3A_825 = arith.constant 0 : index
      %get3A_826 = arith.index_cast %multiple_of3A_824 : i32 to index
      %get3A_827 = vector.load %arg2[%get3A_825, %get3A_826] : memref<1x102400xf32, #tpu.memory_space<vmem>>, vector<1x128xf32>
      %get3A_828 = arith.constant 0 : index
      %get3A_829 = arith.index_cast %multiple_of3A_824 : i32 to index
      %get3A_830 = vector.load %arg3[%get3A_828, %get3A_829] : memref<1x102400xf32, #tpu.memory_space<vmem>>, vector<1x128xf32>
      %sub3A_831 = vector.broadcast %get3A_1 : vector<2048x1xf32> to vector<2048x128xf32>
      %sub3A_832 = vector.broadcast %get3A_827 : vector<1x128xf32> to vector<2048x128xf32>
      %sub3A_833 = arith.subf %sub3A_831, %sub3A_832 : vector<2048x128xf32>
      %sub3A_834 = vector.broadcast %get3A_4 : vector<2048x1xf32> to vector<2048x128xf32>
      %sub3A_835 = vector.broadcast %get3A_830 : vector<1x128xf32> to vector<2048x128xf32>
      %sub3A_836 = arith.subf %sub3A_834, %sub3A_835 : vector<2048x128xf32>
      %mul3A_837 = arith.mulf %sub3A_833, %sub3A_833 : vector<2048x128xf32>
      %mul3A_838 = arith.mulf %sub3A_836, %sub3A_836 : vector<2048x128xf32>
      %add3A_839 = arith.addf %mul3A_837, %mul3A_838 : vector<2048x128xf32>
      %min3A_840 = arith.minimumf %min3A_817, %add3A_839 : vector<2048x128xf32>
      %lt3A_841 = arith.cmpf olt, %min3A_840, %select_n3A_467 : vector<2048x128xf32>
      %convert_element_type3A_842 = arith.sitofp %add3A_473 : i32 to f32
      %select_n3A_843 = arith.select %lt3A_841, %min3A_840, %select_n3A_467 : vector<2048x128xi1>, vector<2048x128xf32>
      %broadcast_in_dim3A_844 = vector.broadcast %convert_element_type3A_842 : f32 to vector<2048x128xf32>
      %select_n3A_845 = arith.select %lt3A_841, %broadcast_in_dim3A_844, %select_n3A_469 : vector<2048x128xi1>, vector<2048x128xf32>
      scf.yield %select_n3A_843, %select_n3A_845 : vector<2048x128xf32>, vector<2048x128xf32>
    }
    %scan3A_12 = arith.constant 25 : i32
    %reduce_min3A = arith.constant dense<0x7F800000> : vector<2048xf32>
    %reduce_min3A_13 = vector.multi_reduction <minimumf>, %scan3A_11#0, %reduce_min3A [1] : vector<2048x128xf32> to vector<2048xf32>
    %broadcast_in_dim3A_14 = vector.shape_cast %reduce_min3A_13 : vector<2048xf32> to vector<2048x1xf32>
    %eq3A = vector.broadcast %broadcast_in_dim3A_14 : vector<2048x1xf32> to vector<2048x128xf32>
    %eq3A_15 = arith.cmpf oeq, %scan3A_11#0, %eq3A : vector<2048x128xf32>
    %jit3A = arith.constant 3.000000e+38 : f32
    %broadcast_in_dim3A_16 = vector.shape_cast %convert_element_type3A : vector<1x128xf32> to vector<1x128xf32>
    %broadcast_in_dim3A_17 = vector.broadcast %broadcast_in_dim3A_16 : vector<1x128xf32> to vector<2048x128xf32>
    %broadcast_in_dim3A_18 = vector.broadcast %jit3A : f32 to vector<2048x128xf32>
    %select_n3A = arith.select %eq3A_15, %broadcast_in_dim3A_17, %broadcast_in_dim3A_18 : vector<2048x128xi1>, vector<2048x128xf32>
    %reduce_min3A_19 = arith.constant dense<0x7F800000> : vector<2048xf32>
    %reduce_min3A_20 = vector.multi_reduction <minimumf>, %select_n3A, %reduce_min3A_19 [1] : vector<2048x128xf32> to vector<2048xf32>
    %broadcast_in_dim3A_21 = vector.shape_cast %reduce_min3A_20 : vector<2048xf32> to vector<2048x1xf32>
    %gt3A = vector.broadcast %convert_element_type3A : vector<1x128xf32> to vector<2048x128xf32>
    %gt3A_22 = vector.broadcast %broadcast_in_dim3A_21 : vector<2048x1xf32> to vector<2048x128xf32>
    %gt3A_23 = arith.cmpf ogt, %gt3A, %gt3A_22 : vector<2048x128xf32>
    %and3A = arith.andi %eq3A_15, %gt3A_23 : vector<2048x128xi1>
    %jit3A_24 = arith.constant 3.000000e+38 : f32
    %broadcast_in_dim3A_25 = vector.shape_cast %convert_element_type3A : vector<1x128xf32> to vector<1x128xf32>
    %broadcast_in_dim3A_26 = vector.broadcast %broadcast_in_dim3A_25 : vector<1x128xf32> to vector<2048x128xf32>
    %broadcast_in_dim3A_27 = vector.broadcast %jit3A_24 : f32 to vector<2048x128xf32>
    %select_n3A_28 = arith.select %and3A, %broadcast_in_dim3A_26, %broadcast_in_dim3A_27 : vector<2048x128xi1>, vector<2048x128xf32>
    %reduce_min3A_29 = arith.constant dense<0x7F800000> : vector<2048xf32>
    %reduce_min3A_30 = vector.multi_reduction <minimumf>, %select_n3A_28, %reduce_min3A_29 [1] : vector<2048x128xf32> to vector<2048xf32>
    %broadcast_in_dim3A_31 = vector.shape_cast %reduce_min3A_30 : vector<2048xf32> to vector<2048x1xf32>
    %eq3A_32 = vector.broadcast %convert_element_type3A : vector<1x128xf32> to vector<2048x128xf32>
    %eq3A_33 = vector.broadcast %broadcast_in_dim3A_21 : vector<2048x1xf32> to vector<2048x128xf32>
    %eq3A_34 = arith.cmpf oeq, %eq3A_32, %eq3A_33 : vector<2048x128xf32>
    %jit3A_35 = arith.constant 3.000000e+38 : f32
    %broadcast_in_dim3A_36 = vector.broadcast %jit3A_35 : f32 to vector<2048x128xf32>
    %select_n3A_37 = arith.select %eq3A_34, %scan3A_11#1, %broadcast_in_dim3A_36 : vector<2048x128xi1>, vector<2048x128xf32>
    %reduce_min3A_38 = arith.constant dense<0x7F800000> : vector<2048xf32>
    %reduce_min3A_39 = vector.multi_reduction <minimumf>, %select_n3A_37, %reduce_min3A_38 [1] : vector<2048x128xf32> to vector<2048xf32>
    %broadcast_in_dim3A_40 = vector.shape_cast %reduce_min3A_39 : vector<2048xf32> to vector<2048x1xf32>
    %eq3A_41 = vector.broadcast %convert_element_type3A : vector<1x128xf32> to vector<2048x128xf32>
    %eq3A_42 = vector.broadcast %broadcast_in_dim3A_31 : vector<2048x1xf32> to vector<2048x128xf32>
    %eq3A_43 = arith.cmpf oeq, %eq3A_41, %eq3A_42 : vector<2048x128xf32>
    %jit3A_44 = arith.constant 3.000000e+38 : f32
    %broadcast_in_dim3A_45 = vector.broadcast %jit3A_44 : f32 to vector<2048x128xf32>
    %select_n3A_46 = arith.select %eq3A_43, %scan3A_11#1, %broadcast_in_dim3A_45 : vector<2048x128xi1>, vector<2048x128xf32>
    %reduce_min3A_47 = arith.constant dense<0x7F800000> : vector<2048xf32>
    %reduce_min3A_48 = vector.multi_reduction <minimumf>, %select_n3A_46, %reduce_min3A_47 [1] : vector<2048x128xf32> to vector<2048xf32>
    %broadcast_in_dim3A_49 = vector.shape_cast %reduce_min3A_48 : vector<2048xf32> to vector<2048x1xf32>
    %mul3A = arith.constant 2.048000e+03 : f32
    %mul3A_50 = vector.broadcast %mul3A : f32 to vector<2048x1xf32>
    %mul3A_51 = arith.mulf %broadcast_in_dim3A_40, %mul3A_50 : vector<2048x1xf32>
    %add3A = arith.addf %mul3A_51, %broadcast_in_dim3A_21 : vector<2048x1xf32>
    %lt3A = arith.constant 1.280000e+02 : f32
    %lt3A_52 = vector.broadcast %lt3A : f32 to vector<2048x1xf32>
    %lt3A_53 = arith.cmpf olt, %broadcast_in_dim3A_31, %lt3A_52 : vector<2048x1xf32>
    %mul3A_54 = arith.constant 2.048000e+03 : f32
    %mul3A_55 = vector.broadcast %mul3A_54 : f32 to vector<2048x1xf32>
    %mul3A_56 = arith.mulf %broadcast_in_dim3A_49, %mul3A_55 : vector<2048x1xf32>
    %add3A_57 = arith.addf %mul3A_56, %broadcast_in_dim3A_31 : vector<2048x1xf32>
    %select_n3A_58 = arith.select %lt3A_53, %add3A_57, %add3A : vector<2048x1xi1>, vector<2048x1xf32>
    %iota3A_59 = tpu.iota {dimensions = array<i32: 1>} : vector<1x32xi32>
    %lt3A_60 = arith.constant 16 : i32
    %lt3A_61 = vector.broadcast %lt3A_60 : i32 to vector<1x32xi32>
    %lt3A_62 = arith.cmpi slt, %iota3A_59, %lt3A_61 : vector<1x32xi32>
    %sub3A = arith.constant 16 : i32
    %sub3A_63 = vector.broadcast %sub3A : i32 to vector<1x32xi32>
    %sub3A_64 = arith.subi %iota3A_59, %sub3A_63 : vector<1x32xi32>
    %select_n3A_65 = arith.select %lt3A_62, %iota3A_59, %sub3A_64 : vector<1x32xi1>, vector<1x32xi32>
    %convert_element_type3A_66 = arith.sitofp %select_n3A_65 : vector<1x32xi32> to vector<1x32xf32>
    %mul3A_67 = arith.constant 1.280000e+02 : f32
    %mul3A_68 = vector.broadcast %mul3A_67 : f32 to vector<1x32xf32>
    %mul3A_69 = arith.mulf %convert_element_type3A_66, %mul3A_68 : vector<1x32xf32>
    %lt3A_70 = arith.constant 16 : i32
    %lt3A_71 = vector.broadcast %lt3A_70 : i32 to vector<1x32xi32>
    %lt3A_72 = arith.cmpi slt, %iota3A_59, %lt3A_71 : vector<1x32xi32>
    %broadcast_in_dim3A_73 = vector.shape_cast %lt3A_72 : vector<1x32xi1> to vector<1x32xi1>
    %broadcast_in_dim3A_74 = vector.broadcast %broadcast_in_dim3A_73 : vector<1x32xi1> to vector<2048x32xi1>
    %broadcast_in_dim3A_75 = vector.shape_cast %add3A : vector<2048x1xf32> to vector<2048x1xf32>
    %broadcast_in_dim3A_76 = vector.broadcast %broadcast_in_dim3A_75 : vector<2048x1xf32> to vector<2048x32xf32>
    %broadcast_in_dim3A_77 = vector.shape_cast %select_n3A_58 : vector<2048x1xf32> to vector<2048x1xf32>
    %broadcast_in_dim3A_78 = vector.broadcast %broadcast_in_dim3A_77 : vector<2048x1xf32> to vector<2048x32xf32>
    %select_n3A_79 = arith.select %broadcast_in_dim3A_74, %broadcast_in_dim3A_76, %broadcast_in_dim3A_78 : vector<2048x32xi1>, vector<2048x32xf32>
    %add3A_80 = vector.broadcast %mul3A_69 : vector<1x32xf32> to vector<2048x32xf32>
    %add3A_81 = arith.addf %select_n3A_79, %add3A_80 : vector<2048x32xf32>
    %swap3A = arith.constant 0 : index
    %swap3A_82 = arith.constant 0 : index
    %swap3A_83 = vector.load %arg6[%swap3A, %swap3A_82] : memref<2048x32xf32, #tpu.memory_space<vmem>>, vector<2048x32xf32>
    tpu.vector_store %arg6[%swap3A, %swap3A_82], %add3A_81 {strides = array<i32>} : memref<2048x32xf32, #tpu.memory_space<vmem>>, vector<2048x32xf32>,
    %swap3A_84 = arith.constant 0 : index
    %swap3A_85 = arith.constant 0 : index
    %swap3A_86 = vector.load %arg5[%swap3A_84, %swap3A_85] : memref<2048x1xf32, #tpu.memory_space<vmem>>, vector<2048x1xf32>
    tpu.vector_store %arg5[%swap3A_84, %swap3A_85], %broadcast_in_dim3A_14 {strides = array<i32>} : memref<2048x1xf32, #tpu.memory_space<vmem>>, vector<2048x1xf32>,
    %get3A_87 = arith.constant 0 : index
    %get3A_88 = arith.constant 0 : index
    %get3A_89 = vector.load %arg4[%get3A_87, %get3A_88] : memref<1x1xf32, #tpu.memory_space<vmem>>, vector<1x1xf32>
    %get3A_90 = vector.extract %get3A_89[0, 0] : f32 from vector<1x1xf32>
    %exp3A = math.exp %get3A_90 : f32
    %broadcast_in_dim3A_91 = vector.broadcast %exp3A : f32 to vector<2048x2xf32>
    %swap3A_92 = arith.constant 0 : index
    %swap3A_93 = arith.constant 0 : index
    %swap3A_94 = vector.load %arg7[%swap3A_92, %swap3A_93] : memref<2048x2xf32, #tpu.memory_space<vmem>>, vector<2048x2xf32>
    tpu.vector_store %arg7[%swap3A_92, %swap3A_93], %broadcast_in_dim3A_91 {strides = array<i32>} : memref<2048x2xf32, #tpu.memory_space<vmem>>, vector<2048x2xf32>,
    return
  }
  func.func @transform_0(%arg0: i32) -> (i32, i32) {
    %c0_i32 = arith.constant 0 : i32
    %c0_i32_0 = arith.constant 0 : i32
    return %arg0, %c0_i32 : i32, i32
  }
  func.func @transform_1(%arg0: i32) -> (i32, i32) {
    %c0_i32 = arith.constant 0 : i32
    %c0_i32_0 = arith.constant 0 : i32
    %c0_i32_1 = arith.constant 0 : i32
    return %c0_i32, %c0_i32_0 : i32, i32
  }
  func.func @transform_2(%arg0: i32) -> (i32, i32) {
    %c0_i32 = arith.constant 0 : i32
    %c0_i32_0 = arith.constant 0 : i32
    %c0_i32_1 = arith.constant 0 : i32
    return %c0_i32, %c0_i32_0 : i32, i32
  }
  func.func @transform_3(%arg0: i32) -> (i32, i32) {
    %c0_i32 = arith.constant 0 : i32
    %c0_i32_0 = arith.constant 0 : i32
    %c0_i32_1 = arith.constant 0 : i32
    return %c0_i32, %c0_i32_0 : i32, i32
  }
  func.func @transform_4(%arg0: i32) -> (i32, i32) {
    %c0_i32 = arith.constant 0 : i32
    %c0_i32_0 = arith.constant 0 : i32
    return %arg0, %c0_i32 : i32, i32
  }
  func.func @transform_5(%arg0: i32) -> (i32, i32) {
    %c0_i32 = arith.constant 0 : i32
    %c0_i32_0 = arith.constant 0 : i32
    return %arg0, %c0_i32 : i32, i32
  }
  func.func @transform_6(%arg0: i32) -> (i32, i32) {
    %c0_i32 = arith.constant 0 : i32
    %c0_i32_0 = arith.constant 0 : i32
    return %arg0, %c0_i32 : i32, i32
  }
}

module attributes {stable_mosaic.version = 14 : i64} {
  func.func @_resolve_body(%arg0: i32, %arg1: memref<1024x2xf32, #tpu.memory_space<vmem>>, %arg2: memref<1024x1xf32, #tpu.memory_space<vmem>>, %arg3: memref<1024x32xf32, #tpu.memory_space<vmem>>, %arg4: memref<1024x32xf32, #tpu.memory_space<vmem>>, %arg5: memref<1024x32xf32, #tpu.memory_space<vmem>>, %arg6: memref<1024x1xi32, #tpu.memory_space<vmem>>) attributes {dimension_semantics = [#tpu.dimension_semantics<arbitrary>], iteration_bounds = array<i64: 16>, scalar_prefetch = 0 : i64, scratch_operands = 0 : i64, tpu.core_type = #tpu.core_type<tc>, window_params = [{transform_indices = @transform_0, window_bounds = array<i64: 1024, 2>}, {transform_indices = @transform_1, window_bounds = array<i64: 1024, 1>}, {transform_indices = @transform_2, window_bounds = array<i64: 1024, 32>}, {transform_indices = @transform_3, window_bounds = array<i64: 1024, 32>}, {transform_indices = @transform_4, window_bounds = array<i64: 1024, 32>}, {transform_indices = @transform_5, window_bounds = array<i64: 1024, 1>}]} {
    %get3A = arith.constant 0 : index
    %get3A_0 = arith.constant 0 : index
    %get3A_1 = vector.load %arg1[%get3A, %get3A_0] : memref<1024x2xf32, #tpu.memory_space<vmem>>, vector<1024x1xf32>
    %get3A_2 = arith.constant 0 : index
    %get3A_3 = arith.constant 1 : index
    %get3A_4 = vector.load %arg1[%get3A_2, %get3A_3] : memref<1024x2xf32, #tpu.memory_space<vmem>>, vector<1024x1xf32>
    %get3A_5 = arith.constant 0 : index
    %get3A_6 = arith.constant 0 : index
    %get3A_7 = vector.load %arg4[%get3A_5, %get3A_6] : memref<1024x32xf32, #tpu.memory_space<vmem>>, vector<1024x32xf32>
    %sub3A = vector.broadcast %get3A_1 : vector<1024x1xf32> to vector<1024x32xf32>
    %sub3A_8 = arith.subf %sub3A, %get3A_7 : vector<1024x32xf32>
    %get3A_9 = arith.constant 0 : index
    %get3A_10 = arith.constant 0 : index
    %get3A_11 = vector.load %arg5[%get3A_9, %get3A_10] : memref<1024x32xf32, #tpu.memory_space<vmem>>, vector<1024x32xf32>
    %sub3A_12 = vector.broadcast %get3A_4 : vector<1024x1xf32> to vector<1024x32xf32>
    %sub3A_13 = arith.subf %sub3A_12, %get3A_11 : vector<1024x32xf32>
    %mul3A = arith.mulf %sub3A_8, %sub3A_8 : vector<1024x32xf32>
    %mul3A_14 = arith.mulf %sub3A_13, %sub3A_13 : vector<1024x32xf32>
    %add3A = arith.addf %mul3A, %mul3A_14 : vector<1024x32xf32>
    %get3A_15 = arith.constant 0 : index
    %get3A_16 = arith.constant 0 : index
    %get3A_17 = vector.load %arg2[%get3A_15, %get3A_16] : memref<1024x1xf32, #tpu.memory_space<vmem>>, vector<1024x1xf32>
    %eq3A = vector.broadcast %get3A_17 : vector<1024x1xf32> to vector<1024x32xf32>
    %eq3A_18 = arith.cmpf oeq, %add3A, %eq3A : vector<1024x32xf32>
    %get3A_19 = arith.constant 0 : index
    %get3A_20 = arith.constant 0 : index
    %get3A_21 = vector.load %arg3[%get3A_19, %get3A_20] : memref<1024x32xf32, #tpu.memory_space<vmem>>, vector<1024x32xf32>
    %jit3A = arith.constant 3.000000e+38 : f32
    %broadcast_in_dim3A = vector.broadcast %jit3A : f32 to vector<1024x32xf32>
    %select_n3A = arith.select %eq3A_18, %get3A_21, %broadcast_in_dim3A : vector<1024x32xi1>, vector<1024x32xf32>
    %reduce_min3A = arith.constant dense<0x7F800000> : vector<1024xf32>
    %reduce_min3A_22 = vector.multi_reduction <minimumf>, %select_n3A, %reduce_min3A [1] : vector<1024x32xf32> to vector<1024xf32>
    %broadcast_in_dim3A_23 = vector.shape_cast %reduce_min3A_22 : vector<1024xf32> to vector<1024x1xf32>
    %min3A = arith.constant 9.999900e+04 : f32
    %min3A_24 = vector.broadcast %min3A : f32 to vector<1024x1xf32>
    %min3A_25 = arith.minimumf %broadcast_in_dim3A_23, %min3A_24 : vector<1024x1xf32>
    %convert_element_type3A = arith.fptosi %min3A_25 : vector<1024x1xf32> to vector<1024x1xi32>
    %swap3A = arith.constant 0 : index
    %swap3A_26 = arith.constant 0 : index
    %swap3A_27 = vector.load %arg6[%swap3A, %swap3A_26] : memref<1024x1xi32, #tpu.memory_space<vmem>>, vector<1024x1xi32>
    tpu.vector_store %arg6[%swap3A, %swap3A_26], %convert_element_type3A {strides = array<i32>} : memref<1024x1xi32, #tpu.memory_space<vmem>>, vector<1024x1xi32>,
    return
  }
  func.func @transform_0(%arg0: i32) -> (i32, i32) {
    %c0_i32 = arith.constant 0 : i32
    %c0_i32_0 = arith.constant 0 : i32
    return %arg0, %c0_i32 : i32, i32
  }
  func.func @transform_1(%arg0: i32) -> (i32, i32) {
    %c0_i32 = arith.constant 0 : i32
    %c0_i32_0 = arith.constant 0 : i32
    return %arg0, %c0_i32 : i32, i32
  }
  func.func @transform_2(%arg0: i32) -> (i32, i32) {
    %c0_i32 = arith.constant 0 : i32
    %c0_i32_0 = arith.constant 0 : i32
    return %arg0, %c0_i32 : i32, i32
  }
  func.func @transform_3(%arg0: i32) -> (i32, i32) {
    %c0_i32 = arith.constant 0 : i32
    %c0_i32_0 = arith.constant 0 : i32
    return %arg0, %c0_i32 : i32, i32
  }
  func.func @transform_4(%arg0: i32) -> (i32, i32) {
    %c0_i32 = arith.constant 0 : i32
    %c0_i32_0 = arith.constant 0 : i32
    return %arg0, %c0_i32 : i32, i32
  }
  func.func @transform_5(%arg0: i32) -> (i32, i32) {
    %c0_i32 = arith.constant 0 : i32
    %c0_i32_0 = arith.constant 0 : i32
    return %arg0, %c0_i32 : i32, i32
  }
}

</mosaic_0001>

<sc_bundles>
// kernel: kernel.6.cloned.1.call-start
scs
__scs_entry_jumppad:
0x0: {  	(pc) =	sbr.rel $0x88, $3  }
0x1: {  	(tag) =	ssettag $0x0;
	lr =	simm.s32 $0x1  }
0x2: {  	[smem:$0x3F9C] =	sst lr;
	_ =	strace $0xD0000000  }
0x3: {  	_ = 	snop  }
0x4: {  	_ = 	snop  }
0x5: {  	_ = 	snop  }
0x6: {  	_ = 	snop  }
0x7: {  	_ = 	snop  }
__scs_overlays_trampoline_lowered:
0x8: {  	[smem:$0x3FAB] =	sst s0  }
0x9: {  	[smem:$0x3FAC] =	sst s1  }
0xa: {  	[smem:$0x3FAD] =	sst s2  }
0xb: {  	[smem:$0x3FAE] =	sst s3  }
0xc: {  	[smem:$0x3FAF] =	sst s4  }
0xd: {  	[smem:$0x3FB0] =	sst s5  }
0xe: {  	[smem:$0x3FB1] =	sst s6  }
0xf: {  	[smem:$0x3FB2] =	sst s7  }
0x10: {  	[smem:$0x3FB3] =	sst s8  }
0x11: {  	[smem:$0x3FB4] =	sst s9;
	s0 =	simm.s32 @!p0 $0x0  }
0x12: {  	s1 =	sld [smem:$0x3F9A];
	s0 =	simm.s32 @p0 $0x1  }
0x13: {  	[smem:$0x3FB5] =	sst s0;
	s0 =	simm.s32 @!p1 $0x0  }
0x14: {  	s2 =	sld [smem:$0x3F99];
	s0 =	simm.s32 @p1 $0x1  }
0x15: {  	[smem:$0x3FB6] =	sst s0;
	s0 =	simm.s32 @!p2 $0x0  }
0x16: {  	s3 =	sld [smem:$0x3FDB];
	s0 =	simm.s32 @p2 $0x1  }
0x17: {  	s4 =	simm.s32 $0x1BF5;
	[smem:$0x3FB8] =	sst s0  }
0x18: {  	s0 =	sld [smem:$0x3F9B];
	_ =	swait.ge [sflag:s4], $0x0  }
0x19: {  	s7 =	sld [smem:$0x3F9C]  }
0x1a: {  	s8 =	sadd.s32 $0xFFFFE003, lr  }
0x1b: {  	s9 =	sadd.s32 $0xFFFFFEF7, lr;
	s5 =	simm.s32 $0xFFFFFFFF;
	p2 =	slt.u32 s8, $0xFFFFF086  }
0x1c: {  	p1 =	slt.u32 s9, $0xF7A;
	s5 =	simm.s32 @!p2 $0x0  }
0x1d: {  	s5 =	simm.s32 @p1 $0x1;
	p0 =	seq.s32 s7, s2  }
0x1e: {  	s7 =	smul.u32 @!p0 $0xF7A, s2;
	p2 =	seq.s32 @!p0 s5, $0x0  }
0x1f: {  	s9 =	smul.u32 $0xF7A, s1;
	s8 =	simm.s32 @!p0 $0x1BF5;
	p2 =	por !p2, p0  }
0x20: {  	[sflag:s8] =	ssyncset.s32 @!p0 $0xFFFFF086;
	s6 =	sadd.s32 @!p0 s3, s7;
	s7 =	simm.s32 @!p0 $0x108  }
0x21: {  	s3 =	sadd.s32 s3, s9;
	s6 =	sadd.s32 @!p0 $0x88, s6;
	s7 =	simm.s32 @p2 $0x1082  }
0x22: {  	[simem:s7], [sflag:s8] =	dma.local @!p0 [hbm:s6], $0xF7A  }
0x23: {  	s9 =	sor.u32 $0xD0000000, s2;
	s6 =	simm.s32 $0x108;
	_ =	swait.ge @!p0 [sflag:s8], $0x0  }
0x24: {  	s3 =	sadd.s32 $0x88, s3;
	s6 =	simm.s32 @!p1 $0x1082;
	[sflag:s4] =	ssyncset.s32 $0xFFFFF086  }
0x25: {  	[simem:s6], [sflag:s4] =	dma.local [hbm:s3], $0xF7A  }
0x26: {  	[smem:$0x3F9C] =	sst s1;
	(tag) =	ssettag s2;
	_ =	strace s9  }
0x27: {  	s1 =	sld [smem:$0x3FAC]  }
0x28: {  	s2 =	sld [smem:$0x3FAD]  }
0x29: {  	s4 =	sld [smem:$0x3FAF]  }
0x2a: {  	p0 =	seq.s32 s5, $0x0;
	s5 =	sld [smem:$0x3FB0]  }
0x2b: {  	s6 =	sld [smem:$0x3FB1]  }
0x2c: {  	s7 =	sld [smem:$0x3FB2]  }
0x2d: {  	s3 =	simm.s32 $0x108;
	s8 =	sld [smem:$0x3FB3]  }
0x2e: {  	s3 =	simm.s32 @!p0 $0x1082;
	s9 =	sld [smem:$0x3FB4]  }
0x2f: {  	lr =	sadd.s32 s0, s3;
	s0 =	sld [smem:$0x3FAB]  }
0x30: {  	s3 =	sld [smem:$0x3FAE]  }
0x31: {  	[smem:$0x3FB7] =	sst s10  }
0x32: {  	s10 =	sld [smem:$0x3FB5];
	_ =	sdelay $0x3  }
0x33: {  	p0 =	seq.s32 s10, $0x1;
	s10 =	sld [smem:$0x3FB7];
	_ =	sdelay $0x3  }
0x34: {  	[smem:$0x3FB7] =	sst s10  }
0x35: {  	s10 =	sld [smem:$0x3FB6];
	_ =	sdelay $0x3  }
0x36: {  	p1 =	seq.s32 s10, $0x1;
	s10 =	sld [smem:$0x3FB7];
	_ =	sdelay $0x3  }
0x37: {  	[smem:$0x3FB7] =	sst s10  }
0x38: {  	s10 =	sld [smem:$0x3FB8]  }
0x39: {  	_ = 	snop;
	(pc) =	sbr.ind lr, $3  }
0x3a: {  	_ = 	snop  }
0x3b: {  	_ = 	snop  }
0x3c: {  	p2 =	seq.s32 s10, $0x1;
	s10 =	sld [smem:$0x3FB7]  }
0x3d: {  	_ =	shalt  }
0x3e: {  	_ =	shalt  }
0x3f: {  	_ =	shalt  }
0x40: {  	_ =	shalt  }
0x41: {  	_ =	shalt  }
0x42: {  	_ =	shalt  }
0x43: {  	_ =	shalt  }
0x44: {  	_ =	shalt  }
0x45: {  	_ =	shalt  }
0x46: {  	_ =	shalt  }
0x47: {  	_ =	shalt  }
0x48: {  	_ =	shalt  }
0x49: {  	_ =	shalt  }
0x4a: {  	_ =	shalt  }
0x4b: {  	_ =	shalt  }
0x4c: {  	_ =	shalt  }
0x4d: {  	_ =	shalt  }
0x4e: {  	_ =	shalt  }
0x4f: {  	_ =	shalt  }
0x50: {  	_ =	shalt  }
0x51: {  	_ =	shalt  }
0x52: {  	_ =	shalt  }
0x53: {  	_ =	shalt  }
0x54: {  	_ =	shalt  }
0x55: {  	_ =	shalt  }
0x56: {  	_ =	shalt  }
0x57: {  	_ =	shalt  }
0x58: {  	_ =	shalt  }
0x59: {  	_ =	shalt  }
0x5a: {  	_ =	shalt  }
0x5b: {  	_ =	shalt  }
0x5c: {  	_ =	shalt  }
0x5d: {  	_ =	shalt  }
0x5e: {  	_ =	shalt  }
0x5f: {  	_ =	shalt  }
0x60: {  	_ =	shalt  }
0x61: {  	_ =	shalt  }
0x62: {  	_ =	shalt  }
0x63: {  	_ =	shalt  }
0x64: {  	_ =	shalt  }
0x65: {  	_ =	shalt  }
0x66: {  	_ =	shalt  }
0x67: {  	_ =	shalt  }
0x68: {  	_ =	shalt  }
0x69: {  	_ =	shalt  }
0x6a: {  	_ =	shalt  }
0x6b: {  	_ =	shalt  }
0x6c: {  	_ =	shalt  }
0x6d: {  	_ =	shalt  }
0x6e: {  	_ =	shalt  }
0x6f: {  	_ =	shalt  }
0x70: {  	_ =	shalt  }
0x71: {  	_ =	shalt  }
0x72: {  	_ =	shalt  }
0x73: {  	_ =	shalt  }
0x74: {  	_ =	shalt  }
0x75: {  	_ =	shalt  }
0x76: {  	_ =	shalt  }
0x77: {  	_ =	shalt  }
0x78: {  	_ =	shalt  }
0x79: {  	_ =	shalt  }
0x7a: {  	_ =	shalt  }
0x7b: {  	_ =	shalt  }
0x7c: {  	_ =	shalt  }
0x7d: {  	_ =	shalt  }
0x7e: {  	_ =	shalt  }
0x7f: {  	_ =	shalt  }
0x80: {  	_ =	shalt  }
0x81: {  	_ =	shalt  }
0x82: {  	_ =	shalt  }
0x83: {  	_ =	shalt  }
0x84: {  	_ =	shalt  }
0x85: {  	_ =	shalt  }
0x86: {  	_ =	shalt  }
0x87: {  	_ =	shalt  }
.Lfunc_end0:
.L_simem_size_0:
called_computation_lowered:
.L_overlay_start_0:
0x88: {  	s2 =	sld [smem:$0x3FD9]  }
0x89: {  	s3 =	sld [smem:$0x3FFE];
	_ =	sdelay $0x1  }
0x8a: {  	s1 =	srdreg.scid  }
0x8b: {  	s0 =	sand.u32 $0x1, s1  }
0x8c: {  	s16 =	sshll.u32 s0, $0xA;
	s2 =	sadd.s32 s3, s2  }
0x8d: {  	s2 =	sadd.s32 s2, s16  }
0x8e: {  	[smem:$0x3FC3] =	sst s2  }
0x8f: {  	_ = 	snop  }
0x90: {  	(tm) =	ssettm $0x1  }
0x91: {  	s17 =	sld [smem:$0x3FFB];
	_ =	sdelay $0x3  }
0x92: {  	_ =	strace s17  }
0x93: {  	s2 =	sld [smem:$0x3FFC];
	_ =	sdelay $0x3  }
0x94: {  	_ =	strace s2  }
0x95: {  	s2 =	sld [smem:$0x3FFD];
	_ =	sdelay $0x3  }
0x96: {  	_ =	strace s2  }
0x97: {  	_ =	strace $0x8FFFFFFF  }
0x98: {  	s18 =	sld [smem:$0x3FDB];
	_ =	sdelay $0x1  }
0x99: {  	s19 =	simm.s32 $_scs_section_size  }
0x9a: {  	s4 =	simm.s32 $_size__tile_overlayer_lowered;
	s5 =	simm.s32 $_tile_overlayer_lowered  }
0x9b: {  	s22 =	simm.s32 $0x1BFF;
	s21 =	sshll.u32 s5, $0x1;
	s2 =	sadd.s32 s19, s18  }
0x9c: {  	s6 =	simm.s32 $0x0;
	s20 =	sshll.u32 s4, $0x1;
	s4 =	sadd.s32 s21, s2  }
0x9d: {  	[timem:s6], [sflag:s22] =	dma.local [hbm:s4], s20  }
0x9e: {  	_ =	swait.ge [sflag:s22], s20  }
0x9f: {  	s3 =	ssub.s32 $0x0, s20;
	[sflag:s22] =	ssyncset.done $0x0  }
0xa0: {  	[sflag:s22] =	ssyncadd.s32 s3;
	_ =	sdelay $0x1  }
0xa1: {  	s23 =	simm.s32 $0x1B8B  }
0xa2: {  	_ =	swait.ge [sflag:s23], $0x1  }
0xa3: {  	[sflag:s23] =	ssyncset.done $0x0  }
0xa4: {  	s25 =	simm.s32 $0x1B8E;
	s24 =	sld [smem:$0x3FFE];
	[sflag:s23] =	ssyncadd.s32 $0xFFFFFFFF  }
0xa5: {  	s26 =	simm.s32 $execute0_lowered;
	[smem:$0x3FD2] =	sst s25  }
0xa6: {  	s4 =	sshll.u32 s26, $0x1;
	_ =	strace $0x80000046;
	[dreg:$0x1] =	wrdreg $0xFFFFFFFF  }
0xa7: {  	s28 =	simm.s32 $_size_execute0_lowered;
	s2 =	sadd.s32 s2, s4;
	[dreg:$0x0] =	wrdreg $0x0  }
0xa8: {  	s4 =	sshll.u32 s28, $0x1;
	[dreg:$0x2] =	wrdreg s2  }
0xa9: {  	[dreg:$0x3] =	wrdreg s4  }
0xaa: {  	[dreg:$0x4] =	wrdreg $0xC0  }
0xab: {  	_ =	task [dreg:s6], $0x5FFFF  }
0xac: {  	[dreg:$0x1] =	wrdreg $0xFFFFFFFF  }
0xad: {  	[dreg:$0x0] =	wrdreg $0x60  }
0xae: {  	[dreg:$0x2] =	wrdreg s24  }
0xaf: {  	[dreg:$0x3] =	wrdreg $0x9  }
0xb0: {  	_ =	task.clear_ibuf [dreg:s6], $0x4FFFF;
	_ =	strace $0x90000046  }
0xb1: {  	s29 =	simm.s32 $0x9;
	_ =	strace $0x80000048  }
0xb2: {  	_ =	swait.ge [sflag:s29], $0x1  }
0xb3: {  	[sflag:s29] =	ssyncadd.s32 $0xFFFFFFFF  }
0xb4: {  	_ =	strace $0x90000048  }
0xb5: {  	_ =	sfence  }
0xb6: {  	s30 =	sld [smem:$0x0];
	_ =	sdelay $0x2  }
0xb7: {  	s31 =	sshll.u32 s1, $0xD;
	s1 =	sshrl.u32 s1, $0x2  }
0xb8: {  	s3 =	sand.u32 $0x4000, s31;
	s1 =	sadd.s32 s1, s30  }
0xb9: {  	s0 =	sor.u32 s3, s0;
	s1 =	sshll.u32 s1, $0x11  }
0xba: {  	s0 =	sor.u32 s1, s0  }
0xbb: {  	s0 =	sadd.s32 $0x8F2B, s0  }
0xbc: {  	[sflag:s0] =	ssyncadd.remote.s32 $0x1  }
0xbd: {  	_ =	sfence.sel $0xFFFF  }
0xbe: {  	[dreg:$0x0] =	wrdreg $0xFFFFFFFF;
	(pc) =	sbr.abs _section_cstart, $3  }
0xbf: {  	[dreg:$0x1] =	wrdreg $0xFFFFFFFF  }
0xc0: {  	_ =	task.clear_ibuf [dreg:s6], $0x2FFFF;
	_ =	strace $0x9FFFFFFF  }
0xc1: {  	(tm) =	ssettm $0x7FFFFFFF  }
tec
execute0_lowered:
.L_overlay_start_1:
0x0: {  	(tag) =	ssettag $0x1  }
0x1: {  	s5 =	rddreg [dreg:$0x0]  }
0x2: {  	s0 =	rddreg [dreg:$0x1];
	s2 =	simm.s32 $0x0;
	s3 =	srdreg.scid  }
0x3: {  	s1 =	stileid.u32;
	s10 =	simm.s32 $0x200;
	s11 =	simm.s32 $0x1  }
0x4: {  	s12 =	simm.s32 $0x2;
	s13 =	simm.s32 $0x4000;
	s14 =	simm.s32 $0x8000  }
0x5: {  	s15 =	simm.s32 $0x0;
	[smem:$0x7FF] =	sst s2;
	s4 =	sand.u32 $0x1, s3  }
0x6: {  	s6 =	sshll.u32 s1, $0xC;
	s3 =	sadd.s32 $0x5000, s5;
	s7 =	sshll.u32 s4, $0xB  }
0x7: {  	_ =	strace $0x80000047;
	s30 =	ssub.s32 $0x2, s4;
	s6 =	sor.u32 s7, s6  }
0x8: {  	s4 =	sadd.s32 $0x1E00, s5;
	s31 =	sshrl.u32 s30, $0x1;
	s8 =	sadd.s32 s6, s5  }
0x9: {  	s9 =	ssub.s32 s30, s31;
	s5 =	sadd.s32 $0x108200, s8;
	s6 =	sadd.s32 $0x118200, s8  }
0xa: {  	s7 =	sadd.s32 $0x128200, s8;
	s8 =	smax.u32 s9, $0x1;
	s9 =	simm.s32 $0x3  }
.LBB2_1:
0xb: {  	[tilespmem:s2], [sflag:$0x3] =	stream.linear.gather [hbm4b:s5+s2], $0x4000, $0x38;
	[tilespmem:$0xC000] =	vst v63  }
0xc: {  	_ =	swait.ge [sflag:s9], $0x4000  }
0xd: {  	[sflag:s9] =	ssyncset.done $0x0  }
0xe: {  	s16 =	simm.s32 $0x0;
	s17 =	simm.s32 $0x4000;
	[sflag:s9] =	ssyncadd.s32 $0xFFFFC000  }
0xf: {  	[tilespmem:s17], [sflag:$0x1] =	stream.indirect.gather [hbm4b:s3+s10], $0x1, s16, s10, $0xb8;
	[tilespmem:$0xC000] =	vst v63  }
0x10: {  	s31 =	simm.s32 $0x8000  }
0x11: {  	[tilespmem:s31], [sflag:$0x2] =	stream.indirect.gather [hbm4b:s4+s10], $0x1, s16, s10, $0xb8;
	[tilespmem:$0xC000] =	vst v63  }
0x12: {  	_ =	swait.ge [sflag:s11], $0x200  }
0x13: {  	[sflag:s11] =	ssyncset.done $0x0  }
0x14: {  	[sflag:s11] =	ssyncadd.s32 $0xFFFFFE00  }
0x15: {  	_ =	swait.ge [sflag:s12], $0x200  }
0x16: {  	s17 =	simm.s32 $0x1000;
	s16 =	simm.s32 $0x200;
	[sflag:s12] =	ssyncset.done $0x0  }
.LBB2_2:
0x17: {  	s18 =	sadd.s32 $0x4000, s16  }
0x18: {  	[sflag:s12] =	ssyncadd.s32 $0xFFFFFE00;
	s19 =	smov.u32 s17;
	s20 =	sadd.s32 $0x800, s17  }
0x19: {  	[tilespmem:s18], [sflag:$0x1] =	stream.indirect.gather [hbm4b:s3+s10], $0x1, s16, s10, $0xb8;
	[tilespmem:$0xC000] =	vst v63  }
0x1a: {  	p0 =	sne.s32 s17, $0xF800;
	s17 =	sadd.s32 $0x8000, s16  }
0x1b: {  	[tilespmem:s17], [sflag:$0x2] =	stream.indirect.gather [hbm4b:s4+s10], $0x1, s16, s10, $0xb8;
	[tilespmem:$0xC000] =	vst v63  }
.Ltmp0:
0x1c: {  	_ =	swait.ge [sflag:s11], $0x200;
	(pc) =	sbr.rel @p0 .LBB2_2-.Ltmp0, $4  }
0x1d: {  	[sflag:s11] =	ssyncset.done $0x0  }
0x1e: {  	[sflag:s11] =	ssyncadd.s32 $0xFFFFFE00  }
0x1f: {  	_ =	swait.ge [sflag:s12], $0x200  }
0x20: {  	s16 =	sshra.s32 s19, $0x2;
	s17 =	smov.u32 s20;
	[sflag:s12] =	ssyncset.done $0x0  }
0x21: {  	s17 =	sadd.s32 $0x4000, s16;
	[sflag:s12] =	ssyncadd.s32 $0xFFFFFE00  }
0x22: {  	[tilespmem:s17], [sflag:$0x1] =	stream.indirect.gather [hbm4b:s3+s10], $0x1, s16, s10, $0xb8;
	[tilespmem:$0xC000] =	vst v63  }
0x23: {  	s31 =	sadd.s32 $0x8000, s16  }
0x24: {  	[tilespmem:s31], [sflag:$0x2] =	stream.indirect.gather [hbm4b:s4+s10], $0x1, s16, s10, $0xb8;
	[tilespmem:$0xC000] =	vst v63  }
0x25: {  	_ =	swait.ge [sflag:s11], $0x200  }
0x26: {  	[sflag:s11] =	ssyncset.done $0x0  }
0x27: {  	[sflag:s11] =	ssyncadd.s32 $0xFFFFFE00  }
0x28: {  	_ =	swait.ge [sflag:s12], $0x200  }
0x29: {  	[sflag:s12] =	ssyncset.done $0x0  }
0x2a: {  	[sflag:s12] =	ssyncadd.s32 $0xFFFFFE00  }
0x2b: {  	[hbm4b:s6+s2] =	stream.linear.scatter [tilespmem:s13], [sflag:$0x3], $0x4000, $0x38;
	[tilespmem:$0xC000] =	vst v63  }
0x2c: {  	s15 =	sadd.s32 $0x1, s15;
	_ =	swait.ge [sflag:s9], $0x4000  }
0x2d: {  	p0 =	sne.s32 s15, s8;
	[sflag:s9] =	ssyncset.done $0x0  }
.Ltmp1:
0x2e: {  	[sflag:s9] =	ssyncadd.s32 $0xFFFFC000;
	(pc) =	sbr.rel @p0 .LBB2_1-.Ltmp1, $4  }
0x2f: {  	[hbm4b:s7+s2] =	stream.linear.scatter [tilespmem:s14], [sflag:$0x3], $0x4000, $0x38;
	[tilespmem:$0xC000] =	vst v63  }
0x30: {  	_ =	swait.ge [sflag:s9], $0x4000  }
0x31: {  	[sflag:s9] =	ssyncset.done $0x0  }
0x32: {  	[sflag:s9] =	ssyncadd.s32 $0xFFFFC000  }
0x33: {  	_ =	sfence.sel $0x180000  }
0x34: {  	[bflag:$0x0] =	sbarrier.arrive $0xFFFF  }
0x35: {  	p0 =	sne.s32 s1, $0x0;
	_ =	strace $0x90000047  }
0x36: {  	s0 =	sadd.s32 @!p0 $0x100000, s0;
	[bflag:$0x2] =	sbarrier.arrive $0xFFFF  }
0x37: {  	[sflag:s0] =	ssyncadd.tile.s32 @!p0 $0x1;
	_ =	shalt  }
.Lfunc_end2:
_tile_overlayer_lowered:
.L_overlay_start_2:
0x38: {  	(tag) =	ssettag $0x2  }
0x39: {  	s0 =	rddreg [dreg:$0x0];
	s2 =	stileid.u32  }
0x3a: {  	s1 =	rddreg [dreg:$0x1];
	p0 =	sne.s32 s2, $0x0  }
0x3b: {  	s3 =	rddreg [dreg:$0x2];
	[bflag:$0x3] =	sbarrier.arrive $0xFFFF;
	s2 =	simm.s32 @!p0 $0x1C03  }
0x3c: {  	[timem:s3], [sflag:s2] =	dma.local @!p0 [hbm:s0], s1  }
0x3d: {  	s0 =	simm.s32 @!p0 $0x3  }
0x3e: {  	_ =	swait.ge @!p0 [sflag:s0], s1  }
0x3f: {  	s1 =	ssub.s32 @!p0 $0x0, s1;
	[sflag:s0] =	ssyncset.done @!p0 $0x0  }
0x40: {  	[sflag:s0] =	ssyncadd.s32 @!p0 s1  }
0x41: {  	[bflag:$0x3] =	sbarrier.arrive $0xFFFF  }
0x42: {  	_ =	shalt  }

// kernel: kernel.9.cloned.1.call-start
scs
__scs_entry_jumppad:
0x0: {  	(pc) =	sbr.rel $0x88, $3  }
0x1: {  	(tag) =	ssettag $0x0;
	lr =	simm.s32 $0x1  }
0x2: {  	[smem:$0x3F9C] =	sst lr;
	_ =	strace $0xD0000000  }
0x3: {  	_ = 	snop  }
0x4: {  	_ = 	snop  }
0x5: {  	_ = 	snop  }
0x6: {  	_ = 	snop  }
0x7: {  	_ = 	snop  }
__scs_overlays_trampoline_lowered:
0x8: {  	[smem:$0x3FAB] =	sst s0  }
0x9: {  	[smem:$0x3FAC] =	sst s1  }
0xa: {  	[smem:$0x3FAD] =	sst s2  }
0xb: {  	[smem:$0x3FAE] =	sst s3  }
0xc: {  	[smem:$0x3FAF] =	sst s4  }
0xd: {  	[smem:$0x3FB0] =	sst s5  }
0xe: {  	[smem:$0x3FB1] =	sst s6  }
0xf: {  	[smem:$0x3FB2] =	sst s7  }
0x10: {  	[smem:$0x3FB3] =	sst s8  }
0x11: {  	[smem:$0x3FB4] =	sst s9;
	s0 =	simm.s32 @!p0 $0x0  }
0x12: {  	s1 =	sld [smem:$0x3F9A];
	s0 =	simm.s32 @p0 $0x1  }
0x13: {  	[smem:$0x3FB5] =	sst s0;
	s0 =	simm.s32 @!p1 $0x0  }
0x14: {  	s2 =	sld [smem:$0x3F99];
	s0 =	simm.s32 @p1 $0x1  }
0x15: {  	[smem:$0x3FB6] =	sst s0;
	s0 =	simm.s32 @!p2 $0x0  }
0x16: {  	s3 =	sld [smem:$0x3FDB];
	s0 =	simm.s32 @p2 $0x1  }
0x17: {  	s4 =	simm.s32 $0x1BF5;
	[smem:$0x3FB8] =	sst s0  }
0x18: {  	s0 =	sld [smem:$0x3F9B];
	_ =	swait.ge [sflag:s4], $0x0  }
0x19: {  	s7 =	sld [smem:$0x3F9C]  }
0x1a: {  	s8 =	sadd.s32 $0xFFFFE003, lr  }
0x1b: {  	s9 =	sadd.s32 $0xFFFFFEF7, lr;
	s5 =	simm.s32 $0xFFFFFFFF;
	p2 =	slt.u32 s8, $0xFFFFF086  }
0x1c: {  	p1 =	slt.u32 s9, $0xF7A;
	s5 =	simm.s32 @!p2 $0x0  }
0x1d: {  	s5 =	simm.s32 @p1 $0x1;
	p0 =	seq.s32 s7, s2  }
0x1e: {  	s7 =	smul.u32 @!p0 $0xF7A, s2;
	p2 =	seq.s32 @!p0 s5, $0x0  }
0x1f: {  	s9 =	smul.u32 $0xF7A, s1;
	s8 =	simm.s32 @!p0 $0x1BF5;
	p2 =	por !p2, p0  }
0x20: {  	[sflag:s8] =	ssyncset.s32 @!p0 $0xFFFFF086;
	s6 =	sadd.s32 @!p0 s3, s7;
	s7 =	simm.s32 @!p0 $0x108  }
0x21: {  	s3 =	sadd.s32 s3, s9;
	s6 =	sadd.s32 @!p0 $0x88, s6;
	s7 =	simm.s32 @p2 $0x1082  }
0x22: {  	[simem:s7], [sflag:s8] =	dma.local @!p0 [hbm:s6], $0xF7A  }
0x23: {  	s9 =	sor.u32 $0xD0000000, s2;
	s6 =	simm.s32 $0x108;
	_ =	swait.ge @!p0 [sflag:s8], $0x0  }
0x24: {  	s3 =	sadd.s32 $0x88, s3;
	s6 =	simm.s32 @!p1 $0x1082;
	[sflag:s4] =	ssyncset.s32 $0xFFFFF086  }
0x25: {  	[simem:s6], [sflag:s4] =	dma.local [hbm:s3], $0xF7A  }
0x26: {  	[smem:$0x3F9C] =	sst s1;
	(tag) =	ssettag s2;
	_ =	strace s9  }
0x27: {  	s1 =	sld [smem:$0x3FAC]  }
0x28: {  	s2 =	sld [smem:$0x3FAD]  }
0x29: {  	s4 =	sld [smem:$0x3FAF]  }
0x2a: {  	p0 =	seq.s32 s5, $0x0;
	s5 =	sld [smem:$0x3FB0]  }
0x2b: {  	s6 =	sld [smem:$0x3FB1]  }
0x2c: {  	s7 =	sld [smem:$0x3FB2]  }
0x2d: {  	s3 =	simm.s32 $0x108;
	s8 =	sld [smem:$0x3FB3]  }
0x2e: {  	s3 =	simm.s32 @!p0 $0x1082;
	s9 =	sld [smem:$0x3FB4]  }
0x2f: {  	lr =	sadd.s32 s0, s3;
	s0 =	sld [smem:$0x3FAB]  }
0x30: {  	s3 =	sld [smem:$0x3FAE]  }
0x31: {  	[smem:$0x3FB7] =	sst s10  }
0x32: {  	s10 =	sld [smem:$0x3FB5];
	_ =	sdelay $0x3  }
0x33: {  	p0 =	seq.s32 s10, $0x1;
	s10 =	sld [smem:$0x3FB7];
	_ =	sdelay $0x3  }
0x34: {  	[smem:$0x3FB7] =	sst s10  }
0x35: {  	s10 =	sld [smem:$0x3FB6];
	_ =	sdelay $0x3  }
0x36: {  	p1 =	seq.s32 s10, $0x1;
	s10 =	sld [smem:$0x3FB7];
	_ =	sdelay $0x3  }
0x37: {  	[smem:$0x3FB7] =	sst s10  }
0x38: {  	s10 =	sld [smem:$0x3FB8]  }
0x39: {  	_ = 	snop;
	(pc) =	sbr.ind lr, $3  }
0x3a: {  	_ = 	snop  }
0x3b: {  	_ = 	snop  }
0x3c: {  	p2 =	seq.s32 s10, $0x1;
	s10 =	sld [smem:$0x3FB7]  }
0x3d: {  	_ =	shalt  }
0x3e: {  	_ =	shalt  }
0x3f: {  	_ =	shalt  }
0x40: {  	_ =	shalt  }
0x41: {  	_ =	shalt  }
0x42: {  	_ =	shalt  }
0x43: {  	_ =	shalt  }
0x44: {  	_ =	shalt  }
0x45: {  	_ =	shalt  }
0x46: {  	_ =	shalt  }
0x47: {  	_ =	shalt  }
0x48: {  	_ =	shalt  }
0x49: {  	_ =	shalt  }
0x4a: {  	_ =	shalt  }
0x4b: {  	_ =	shalt  }
0x4c: {  	_ =	shalt  }
0x4d: {  	_ =	shalt  }
0x4e: {  	_ =	shalt  }
0x4f: {  	_ =	shalt  }
0x50: {  	_ =	shalt  }
0x51: {  	_ =	shalt  }
0x52: {  	_ =	shalt  }
0x53: {  	_ =	shalt  }
0x54: {  	_ =	shalt  }
0x55: {  	_ =	shalt  }
0x56: {  	_ =	shalt  }
0x57: {  	_ =	shalt  }
0x58: {  	_ =	shalt  }
0x59: {  	_ =	shalt  }
0x5a: {  	_ =	shalt  }
0x5b: {  	_ =	shalt  }
0x5c: {  	_ =	shalt  }
0x5d: {  	_ =	shalt  }
0x5e: {  	_ =	shalt  }
0x5f: {  	_ =	shalt  }
0x60: {  	_ =	shalt  }
0x61: {  	_ =	shalt  }
0x62: {  	_ =	shalt  }
0x63: {  	_ =	shalt  }
0x64: {  	_ =	shalt  }
0x65: {  	_ =	shalt  }
0x66: {  	_ =	shalt  }
0x67: {  	_ =	shalt  }
0x68: {  	_ =	shalt  }
0x69: {  	_ =	shalt  }
0x6a: {  	_ =	shalt  }
0x6b: {  	_ =	shalt  }
0x6c: {  	_ =	shalt  }
0x6d: {  	_ =	shalt  }
0x6e: {  	_ =	shalt  }
0x6f: {  	_ =	shalt  }
0x70: {  	_ =	shalt  }
0x71: {  	_ =	shalt  }
0x72: {  	_ =	shalt  }
0x73: {  	_ =	shalt  }
0x74: {  	_ =	shalt  }
0x75: {  	_ =	shalt  }
0x76: {  	_ =	shalt  }
0x77: {  	_ =	shalt  }
0x78: {  	_ =	shalt  }
0x79: {  	_ =	shalt  }
0x7a: {  	_ =	shalt  }
0x7b: {  	_ =	shalt  }
0x7c: {  	_ =	shalt  }
0x7d: {  	_ =	shalt  }
0x7e: {  	_ =	shalt  }
0x7f: {  	_ =	shalt  }
0x80: {  	_ =	shalt  }
0x81: {  	_ =	shalt  }
0x82: {  	_ =	shalt  }
0x83: {  	_ =	shalt  }
0x84: {  	_ =	shalt  }
0x85: {  	_ =	shalt  }
0x86: {  	_ =	shalt  }
0x87: {  	_ =	shalt  }
.Lfunc_end0:
.L_simem_size_0:
called_computation.1_lowered:
.L_overlay_start_0:
0x88: {  	s2 =	sld [smem:$0x3FD9]  }
0x89: {  	s3 =	sld [smem:$0x3FFE];
	_ =	sdelay $0x1  }
0x8a: {  	s1 =	srdreg.scid  }
0x8b: {  	s0 =	sand.u32 $0x1, s1  }
0x8c: {  	s14 =	sshll.u32 s0, $0xA;
	s2 =	sadd.s32 s3, s2  }
0x8d: {  	s2 =	sadd.s32 s2, s14  }
0x8e: {  	[smem:$0x3FC3] =	sst s2  }
0x8f: {  	_ = 	snop  }
0x90: {  	s2 =	sld [smem:$0x3FD0];
	_ =	sdelay $0x1  }
0x91: {  	s15 =	sld [smem:$0x3FC7]  }
0x92: {  	s5 =	simm.s32 $0xA;
	s6 =	simm.s32 $0x10;
	s4 =	sld [smem:$0x3FC6]  }
0x93: {  	[smem:s6], [sflag:s5] =	dma.local [hbm:s2], $0x1  }
0x94: {  	_ =	swait.eq [sflag:s5], $0x1  }
0x95: {  	[sflag:s5] =	ssyncset.done $0x0  }
0x96: {  	[sflag:s5] =	ssyncadd.s32 $0xFFFFFFFF  }
0x97: {  	s16 =	sld [smem:$0x10];
	(tm) =	ssettm $0x1  }
0x98: {  	s17 =	sld [smem:$0x3FFB];
	_ =	sdelay $0x3  }
0x99: {  	_ =	strace s17  }
0x9a: {  	s5 =	sld [smem:$0x3FFC];
	_ =	sdelay $0x3  }
0x9b: {  	_ =	strace s5  }
0x9c: {  	s5 =	sld [smem:$0x3FFD];
	_ =	sdelay $0x3  }
0x9d: {  	_ =	strace s5  }
0x9e: {  	_ =	strace $0x8FFFFFFF  }
0x9f: {  	s18 =	sld [smem:$0x3FDB];
	_ =	sdelay $0x1  }
0xa0: {  	s19 =	simm.s32 $_scs_section_size  }
0xa1: {  	s7 =	simm.s32 $_size__tile_overlayer_lowered;
	s8 =	simm.s32 $_tile_overlayer_lowered  }
0xa2: {  	s22 =	simm.s32 $0x1BFF;
	s21 =	sshll.u32 s8, $0x1;
	s5 =	sadd.s32 s19, s18  }
0xa3: {  	s9 =	simm.s32 $0x0;
	s20 =	sshll.u32 s7, $0x1;
	s7 =	sadd.s32 s21, s5  }
0xa4: {  	[timem:s9], [sflag:s22] =	dma.local [hbm:s7], s20  }
0xa5: {  	_ =	swait.ge [sflag:s22], s20  }
0xa6: {  	s6 =	ssub.s32 $0x0, s20;
	[sflag:s22] =	ssyncset.done $0x0  }
0xa7: {  	[sflag:s22] =	ssyncadd.s32 s6;
	_ =	sdelay $0x1  }
0xa8: {  	s23 =	simm.s32 $0x1B8B  }
0xa9: {  	_ =	swait.ge [sflag:s23], $0x1  }
0xaa: {  	[sflag:s23] =	ssyncset.done $0x0  }
0xab: {  	s25 =	simm.s32 $0x1B8E;
	s24 =	sld [smem:$0x3FFE];
	[sflag:s23] =	ssyncadd.s32 $0xFFFFFFFF  }
0xac: {  	s26 =	simm.s32 $execute0_lowered;
	[smem:$0x3FD2] =	sst s25  }
0xad: {  	s7 =	sshll.u32 s26, $0x1;
	_ =	strace $0x80000049;
	[dreg:$0x1] =	wrdreg $0xFFFFFFFF  }
0xae: {  	s28 =	simm.s32 $_size_execute0_lowered;
	s5 =	sadd.s32 s5, s7;
	[dreg:$0x0] =	wrdreg $0x0  }
0xaf: {  	s7 =	sshll.u32 s28, $0x1;
	[dreg:$0x2] =	wrdreg s5  }
0xb0: {  	[dreg:$0x3] =	wrdreg s7  }
0xb1: {  	[dreg:$0x4] =	wrdreg $0xC0  }
0xb2: {  	_ =	task [dreg:s9], $0x5FFFF  }
0xb3: {  	[dreg:$0x1] =	wrdreg $0xFFFFFFFF  }
0xb4: {  	[dreg:$0x0] =	wrdreg $0x60  }
0xb5: {  	[dreg:$0x2] =	wrdreg s16  }
0xb6: {  	[dreg:$0x3] =	wrdreg s15  }
0xb7: {  	[dreg:$0x4] =	wrdreg s4  }
0xb8: {  	[dreg:$0x5] =	wrdreg s24  }
0xb9: {  	[dreg:$0x6] =	wrdreg $0x9  }
0xba: {  	_ =	task.clear_ibuf [dreg:s9], $0x7FFFF;
	_ =	strace $0x90000049  }
0xbb: {  	s29 =	simm.s32 $0x9;
	_ =	strace $0x8000004B  }
0xbc: {  	_ =	swait.ge [sflag:s29], $0x1  }
0xbd: {  	[sflag:s29] =	ssyncadd.s32 $0xFFFFFFFF  }
0xbe: {  	_ =	strace $0x9000004B  }
0xbf: {  	_ =	sfence  }
0xc0: {  	s30 =	sld [smem:$0x0];
	_ =	sdelay $0x2  }
0xc1: {  	s31 =	sshll.u32 s1, $0xD;
	s1 =	sshrl.u32 s1, $0x2  }
0xc2: {  	s3 =	sand.u32 $0x4000, s31;
	s1 =	sadd.s32 s1, s30  }
0xc3: {  	s0 =	sor.u32 s3, s0;
	s1 =	sshll.u32 s1, $0x11  }
0xc4: {  	s0 =	sor.u32 s1, s0  }
0xc5: {  	s0 =	sadd.s32 $0x8F2B, s0  }
0xc6: {  	[sflag:s0] =	ssyncadd.remote.s32 $0x1  }
0xc7: {  	_ =	sfence.sel $0xFFFF  }
0xc8: {  	[dreg:$0x0] =	wrdreg $0xFFFFFFFF;
	(pc) =	sbr.abs _section_cstart, $3  }
0xc9: {  	[dreg:$0x1] =	wrdreg $0xFFFFFFFF  }
0xca: {  	_ =	task.clear_ibuf [dreg:s9], $0x2FFFF;
	_ =	strace $0x9FFFFFFF  }
0xcb: {  	(tm) =	ssettm $0x7FFFFFFF  }
tec
execute0_lowered:
.L_overlay_start_1:
0x0: {  	(tag) =	ssettag $0x1  }
0x1: {  	s5 =	rddreg [dreg:$0x0]  }
0x2: {  	s2 =	rddreg [dreg:$0x1]  }
0x3: {  	s3 =	rddreg [dreg:$0x2]  }
0x4: {  	s11 =	rddreg [dreg:$0x3];
	s4 =	srdreg.scid  }
0x5: {  	s0 =	rddreg [dreg:$0x4];
	s1 =	stileid.u32;
	s12 =	sand.u32 $0x1, s4  }
0x6: {  	s4 =	simm.s32 $0x0;
	s6 =	sshll.u32 s1, $0x7;
	s7 =	sshll.u32 s12, $0x6  }
0x7: {  	[smem:$0x7FF] =	sst s4;
	s13 =	sor.u32 s7, s6  }
0x8: {  	_ =	strace $0x8000004A;
	s6 =	sadd.s32 s5, s13;
	s5 =	simm.s32 $0x3  }
0x9: {  	[tilespmem:s4], [sflag:$0x3] =	stream.linear.gather [hbm4b:s6+s4], $0x200, $0x38;
	[tilespmem:$0x600] =	vst v63  }
0xa: {  	_ =	swait.ge [sflag:s5], $0x200  }
0xb: {  	[sflag:s5] =	ssyncset.done $0x0  }
0xc: {  	s7 =	simm.s32 $0x200;
	[sflag:s5] =	ssyncadd.s32 $0xFFFFFE00  }
0xd: {  	[tilespmem:s7], [sflag:$0x1] =	stream.indirect.gather [hbm4b:s2+s7], $0x1, s4, s7, $0xb8;
	[tilespmem:$0x600] =	vst v63  }
0xe: {  	s8 =	simm.s32 $0x400;
	s9 =	simm.s32 $0x1  }
0xf: {  	[tilespmem:s8], [sflag:$0x2] =	stream.indirect.gather [hbm4b:s3+s7], $0x1, s4, s7, $0xb8;
	[tilespmem:$0x600] =	vst v63  }
0x10: {  	_ =	swait.ge [sflag:s9], $0x200  }
0x11: {  	[sflag:s9] =	ssyncset.done $0x0  }
0x12: {  	s10 =	simm.s32 $0x2;
	s12 =	ssub.s32 $0x2, s12;
	[sflag:s9] =	ssyncadd.s32 $0xFFFFFE00  }
0x13: {  	s14 =	sshrl.u32 s12, $0x1;
	_ =	swait.ge [sflag:s10], $0x200  }
0x14: {  	s13 =	sadd.s32 s13, s11;
	s14 =	ssub.s32 s12, s14;
	[sflag:s10] =	ssyncset.done $0x0  }
0x15: {  	s11 =	sadd.s32 $0x1E00, s13;
	s31 =	smax.u32 s14, $0x1;
	[sflag:s10] =	ssyncadd.s32 $0xFFFFFE00  }
0x16: {  	[hbm4b:s11+s4] =	stream.linear.scatter [tilespmem:s7], [sflag:$0x3], $0x200, $0x38;
	[tilespmem:$0x600] =	vst v63  }
0x17: {  	p0 =	sne.s32 s31, $0x1;
	_ =	swait.ge [sflag:s5], $0x200  }
.Ltmp0:
0x18: {  	[sflag:s5] =	ssyncset.done $0x0;
	(pc) =	sbr.rel @!p0 .LBB2_2-.Ltmp0, $4  }
0x19: {  	s12 =	sadd.s32 $0x2600, s13;
	[sflag:s5] =	ssyncadd.s32 $0xFFFFFE00  }
0x1a: {  	[hbm4b:s12+s4] =	stream.linear.scatter [tilespmem:s8], [sflag:$0x3], $0x200, $0x38;
	[tilespmem:$0x600] =	vst v63  }
0x1b: {  	_ =	swait.ge [sflag:s5], $0x200  }
0x1c: {  	s13 =	sadd.s32 $0xFFFFFFFF, s31;
	[sflag:s5] =	ssyncset.done $0x0  }
.LBB2_1:
0x1d: {  	p0 =	sne.s32 s13, $0x1;
	s13 =	sadd.s32 $0xFFFFFFFF, s13;
	[sflag:s5] =	ssyncadd.s32 $0xFFFFFE00  }
0x1e: {  	[tilespmem:s4], [sflag:$0x3] =	stream.linear.gather [hbm4b:s6+s4], $0x200, $0x38;
	[tilespmem:$0x600] =	vst v63  }
0x1f: {  	_ =	swait.ge [sflag:s5], $0x200  }
0x20: {  	[sflag:s5] =	ssyncset.done $0x0  }
0x21: {  	[sflag:s5] =	ssyncadd.s32 $0xFFFFFE00  }
0x22: {  	[tilespmem:s7], [sflag:$0x1] =	stream.indirect.gather [hbm4b:s2+s7], $0x1, s4, s7, $0xb8;
	[tilespmem:$0x600] =	vst v63  }
0x23: {  	_ = 	snop  }
0x24: {  	[tilespmem:s8], [sflag:$0x2] =	stream.indirect.gather [hbm4b:s3+s7], $0x1, s4, s7, $0xb8;
	[tilespmem:$0x600] =	vst v63  }
0x25: {  	_ =	swait.ge [sflag:s9], $0x200  }
0x26: {  	[sflag:s9] =	ssyncset.done $0x0  }
0x27: {  	[sflag:s9] =	ssyncadd.s32 $0xFFFFFE00  }
0x28: {  	_ =	swait.ge [sflag:s10], $0x200  }
0x29: {  	[sflag:s10] =	ssyncset.done $0x0  }
0x2a: {  	[sflag:s10] =	ssyncadd.s32 $0xFFFFFE00  }
0x2b: {  	[hbm4b:s11+s4] =	stream.linear.scatter [tilespmem:s7], [sflag:$0x3], $0x200, $0x38;
	[tilespmem:$0x600] =	vst v63  }
0x2c: {  	_ =	swait.ge [sflag:s5], $0x200  }
.Ltmp1:
0x2d: {  	[sflag:s5] =	ssyncset.done $0x0;
	(pc) =	sbr.rel @p0 .LBB2_1-.Ltmp1, $4  }
0x2e: {  	[sflag:s5] =	ssyncadd.s32 $0xFFFFFE00  }
0x2f: {  	[hbm4b:s12+s4] =	stream.linear.scatter [tilespmem:s8], [sflag:$0x3], $0x200, $0x38;
	[tilespmem:$0x600] =	vst v63  }
0x30: {  	_ =	swait.ge [sflag:s5], $0x200  }
0x31: {  	[sflag:s5] =	ssyncset.done $0x0  }
.LBB2_2:
0x32: {  	[sflag:s5] =	ssyncadd.s32 $0xFFFFFE00  }
0x33: {  	_ =	sfence.sel $0x180000  }
0x34: {  	[bflag:$0x0] =	sbarrier.arrive $0xFFFF  }
0x35: {  	p0 =	sne.s32 s1, $0x0;
	_ =	strace $0x9000004A  }
0x36: {  	s0 =	sadd.s32 @!p0 $0x100000, s0;
	[bflag:$0x2] =	sbarrier.arrive $0xFFFF  }
0x37: {  	[sflag:s0] =	ssyncadd.tile.s32 @!p0 $0x1;
	_ =	shalt  }
.Lfunc_end2:
_tile_overlayer_lowered:
.L_overlay_start_2:
0x38: {  	(tag) =	ssettag $0x2  }
0x39: {  	s0 =	rddreg [dreg:$0x0];
	s2 =	stileid.u32  }
0x3a: {  	s1 =	rddreg [dreg:$0x1];
	p0 =	sne.s32 s2, $0x0  }
0x3b: {  	s3 =	rddreg [dreg:$0x2];
	[bflag:$0x3] =	sbarrier.arrive $0xFFFF;
	s2 =	simm.s32 @!p0 $0x1C03  }
0x3c: {  	[timem:s3], [sflag:s2] =	dma.local @!p0 [hbm:s0], s1  }
0x3d: {  	s0 =	simm.s32 @!p0 $0x3  }
0x3e: {  	_ =	swait.ge @!p0 [sflag:s0], s1  }
0x3f: {  	s1 =	ssub.s32 @!p0 $0x0, s1;
	[sflag:s0] =	ssyncset.done @!p0 $0x0  }
0x40: {  	[sflag:s0] =	ssyncadd.s32 @!p0 s1  }
0x41: {  	[bflag:$0x3] =	sbarrier.arrive $0xFFFF  }
0x42: {  	_ =	shalt  }

</sc_bundles>
